<compile_context>
chip_gen: v7x
topology: tpu7x:2x2x1
jax: 0.10.2.dev20260603
libtpu: 0.0.44.dev20260713+nightly
codegen_flags: <defaults>
</compile_context>

<pallas_src>
import functools

import jax
import jax.numpy as jnp
from jax import lax
from jax.experimental import pallas as pl
from jax.experimental.pallas import tpu as pltpu
from jax.experimental.pallas import tpu_sc as plsc

N_NODES = 10000
N_PAD = 10240
N_EDGES = 320000
TILES = 16
CHUNKS = 250
K = 80
AG_K = 100
AG_CI = 40
AG_CO = 5
ROWS_PER_TILE = N_PAD // TILES

_MESH = plsc.VectorSubcoreMesh(core_axis_name="c", subcore_axis_name="s")
_SC_PARAMS = pltpu.CompilerParams(use_tc_tiling_on_sc=False)


def _degrees(src3, dst3, ones8, zeros8):
    @functools.partial(
        pl.kernel,
        out_type=(
            jax.ShapeDtypeStruct((N_PAD, 8), jnp.float32),
            jax.ShapeDtypeStruct((N_PAD, 8), jnp.float32),
        ),
        mesh=_MESH,
        compiler_params=_SC_PARAMS,
        scratch_types=[
            pltpu.VMEM_SHARED((N_PAD, 8), jnp.float32),
            pltpu.VMEM((CHUNKS, K), jnp.int32),
            pltpu.VMEM((K, 8), jnp.float32),
        ],
    )
    def deg_kernel(src_hbm, dst_hbm, ones_hbm, zeros_hbm,
                   outdeg_hbm, indeg_hbm, hist, idx_v, ones_v):
        c = lax.axis_index("c")
        s = lax.axis_index("s")

        @pl.when(c == 0)
        def _():
            pltpu.sync_copy(src_hbm.at[s], idx_v)

        @pl.when(c == 1)
        def _():
            pltpu.sync_copy(dst_hbm.at[s], idx_v)

        pltpu.sync_copy(ones_hbm, ones_v)
        rows = pl.ds(s * ROWS_PER_TILE, ROWS_PER_TILE)
        pltpu.sync_copy(zeros_hbm.at[rows], hist.at[rows])
        plsc.subcore_barrier()

        def scatter(g, carry):
            pltpu.sync_copy(ones_v, hist.at[idx_v.at[g]], add=True)
            return carry

        lax.fori_loop(0, CHUNKS, scatter, 0)
        plsc.subcore_barrier()

        @pl.when(c == 0)
        def _():
            pltpu.sync_copy(hist.at[rows], outdeg_hbm.at[rows])

        @pl.when(c == 1)
        def _():
            pltpu.sync_copy(hist.at[rows], indeg_hbm.at[rows])

    return deg_kernel(src3, dst3, ones8, zeros8)


def _aggregate(xw0, xw1, src4, dst4, zerosD, D):
    NT = AG_CI // 2

    @functools.partial(
        pl.kernel,
        out_type=(
            jax.ShapeDtypeStruct((N_PAD, D), jnp.float32),
            jax.ShapeDtypeStruct((N_PAD, D), jnp.float32),
        ),
        mesh=_MESH,
        compiler_params=_SC_PARAMS,
        scratch_types=[
            pltpu.VMEM_SHARED((N_PAD, D), jnp.float32),
            pltpu.VMEM((AG_CI, AG_K), jnp.int32),
            pltpu.VMEM((AG_CI, AG_K), jnp.int32),
            pltpu.VMEM((AG_K, D), jnp.float32),
            pltpu.VMEM((AG_K, D), jnp.float32),
            pltpu.SemaphoreType.DMA,
            pltpu.SemaphoreType.DMA,
            pltpu.SemaphoreType.DMA,
            pltpu.SemaphoreType.DMA,
        ],
    )
    def agg_kernel(xw0_hbm, xw1_hbm, s_hbm, d_hbm, z_hbm, out0_hbm, out1_hbm,
                   acc, src_v, dst_v, rows0, rows1, g0, g1, s0, s1):
        c = lax.axis_index("c")
        s = lax.axis_index("s")

        zrows_slice = pl.ds(s * ROWS_PER_TILE, ROWS_PER_TILE)
        pltpu.sync_copy(z_hbm.at[zrows_slice], acc.at[zrows_slice])
        plsc.subcore_barrier()

        def run_edges(xw_hbm):
            def gather(chunk, buf, sem):
                pltpu.async_copy(xw_hbm.at[src_v.at[chunk]], buf, sem)

            def gwait(buf, sem):
                pltpu.make_async_copy(xw_hbm.at[src_v.at[0]], buf, sem).wait()

            def scat(chunk, buf, sem):
                pltpu.async_copy(buf, acc.at[dst_v.at[chunk]], sem, add=True)

            def swait(buf, sem):
                pltpu.make_async_copy(buf, acc.at[dst_v.at[0]], sem).wait()

            def outer(o, carry):
                pltpu.sync_copy(s_hbm.at[s, o], src_v)
                pltpu.sync_copy(d_hbm.at[s, o], dst_v)
                gather(0, rows0, g0)

                def body(t, carry2):
                    a = 2 * t
                    gwait(rows0, g0)

                    @pl.when(t > 0)
                    def _():
                        swait(rows1, s1)

                    gather(a + 1, rows1, g1)
                    scat(a, rows0, s0)
                    gwait(rows1, g1)
                    swait(rows0, s0)

                    @pl.when(t < NT - 1)
                    def _():
                        gather(a + 2, rows0, g0)

                    scat(a + 1, rows1, s1)
                    return carry2

                lax.fori_loop(0, NT, body, 0)
                swait(rows1, s1)
                return carry

            lax.fori_loop(0, AG_CO, outer, 0)

        @pl.when(c == 0)
        def _():
            run_edges(xw0_hbm)

        @pl.when(c == 1)
        def _():
            run_edges(xw1_hbm)

        plsc.subcore_barrier()
        rows = pl.ds(s * ROWS_PER_TILE, ROWS_PER_TILE)

        @pl.when(c == 0)
        def _():
            pltpu.sync_copy(acc.at[rows], out0_hbm.at[rows])

        @pl.when(c == 1)
        def _():
            pltpu.sync_copy(acc.at[rows], out1_hbm.at[rows])

    return agg_kernel(xw0, xw1, src4, dst4, zerosD)


def _norm_col(deg16):
    return lax.rsqrt(jnp.maximum(deg16[:, 0:1], 1.0))


def _mm1(x, W1, degO16):
    M, KIN, H = N_NODES, x.shape[1], W1.shape[1]
    BM = 1000

    def body(x_ref, w_ref, dego_ref, xw0_ref, xw1_ref):
        on = _norm_col(dego_ref[...])
        xs = x_ref[...] * on
        xw = lax.dot_general(xs, w_ref[...], (((1,), (0,)), ((), ())),
                             precision=lax.Precision.HIGHEST,
                             preferred_element_type=jnp.float32)
        xw0_ref[...] = xw[:, : H // 2]
        xw1_ref[...] = xw[:, H // 2:]

    return pl.pallas_call(
        body,
        grid=(M // BM,),
        in_specs=[
            pl.BlockSpec((BM, KIN), lambda i: (i, 0)),
            pl.BlockSpec((KIN, H), lambda i: (0, 0)),
            pl.BlockSpec((BM, 8), lambda i: (i, 0)),
        ],
        out_specs=[
            pl.BlockSpec((BM, H // 2), lambda i: (i, 0)),
            pl.BlockSpec((BM, H // 2), lambda i: (i, 0)),
        ],
        out_shape=[
            jax.ShapeDtypeStruct((M, H // 2), jnp.float32),
            jax.ShapeDtypeStruct((M, H // 2), jnp.float32),
        ],
    )(x, W1, degO16)


def _mm2(a0, a1, degI16, degO16, b1row, W2):
    M, H = N_NODES, 2 * a0.shape[1]
    OUT = W2.shape[1]
    BM = 1000

    def body(a0_ref, a1_ref, degi_ref, dego_ref, b_ref, w_ref, o0_ref, o1_ref):
        inn = _norm_col(degi_ref[...])
        on = _norm_col(dego_ref[...])
        h0 = jnp.maximum(a0_ref[...] * inn + b_ref[0:1, : H // 2], 0.0) * on
        h1 = jnp.maximum(a1_ref[...] * inn + b_ref[0:1, H // 2:], 0.0) * on
        dn = (((1,), (0,)), ((), ()))
        xw = lax.dot_general(h0, w_ref[: H // 2, :], dn,
                             precision=lax.Precision.HIGHEST,
                             preferred_element_type=jnp.float32)
        xw = xw + lax.dot_general(h1, w_ref[H // 2:, :], dn,
                                  precision=lax.Precision.HIGHEST,
                                  preferred_element_type=jnp.float32)
        o0_ref[...] = xw[:, : OUT // 2]
        o1_ref[...] = xw[:, OUT // 2:]

    return pl.pallas_call(
        body,
        grid=(M // BM,),
        in_specs=[
            pl.BlockSpec((BM, H // 2), lambda i: (i, 0)),
            pl.BlockSpec((BM, H // 2), lambda i: (i, 0)),
            pl.BlockSpec((BM, 8), lambda i: (i, 0)),
            pl.BlockSpec((BM, 8), lambda i: (i, 0)),
            pl.BlockSpec((1, H), lambda i: (0, 0)),
            pl.BlockSpec((H, OUT), lambda i: (0, 0)),
        ],
        out_specs=[
            pl.BlockSpec((BM, OUT // 2), lambda i: (i, 0)),
            pl.BlockSpec((BM, OUT // 2), lambda i: (i, 0)),
        ],
        out_shape=[
            jax.ShapeDtypeStruct((M, OUT // 2), jnp.float32),
            jax.ShapeDtypeStruct((M, OUT // 2), jnp.float32),
        ],
    )(a0, a1, degI16, degO16, b1row, W2)


def _final(a0, a1, degI16, b2row):
    M, OUT = N_NODES, 2 * a0.shape[1]
    BM = 1000

    def body(a0_ref, a1_ref, degi_ref, b_ref, out_ref):
        i = pl.program_id(0)
        inn = _norm_col(degi_ref[...])
        h0 = jnp.maximum(a0_ref[...] * inn + b_ref[0:1, : OUT // 2], 0.0)
        h1 = jnp.maximum(a1_ref[...] * inn + b_ref[0:1, OUT // 2:], 0.0)
        part = jnp.concatenate(
            [jnp.sum(h0, axis=0, keepdims=True),
             jnp.sum(h1, axis=0, keepdims=True)], axis=1) * (1.0 / M)

        @pl.when(i == 0)
        def _():
            out_ref[...] = jnp.zeros_like(out_ref)

        out_ref[...] += part

    return pl.pallas_call(
        body,
        grid=(M // BM,),
        in_specs=[
            pl.BlockSpec((BM, OUT // 2), lambda i: (i, 0)),
            pl.BlockSpec((BM, OUT // 2), lambda i: (i, 0)),
            pl.BlockSpec((BM, 8), lambda i: (i, 0)),
            pl.BlockSpec((1, OUT), lambda i: (0, 0)),
        ],
        out_specs=pl.BlockSpec((1, OUT), lambda i: (0, 0)),
        out_shape=jax.ShapeDtypeStruct((1, OUT), jnp.float32),
    )(a0, a1, degI16, b2row)


def kernel(in_feat, edge_index, W1, b1, W2, b2):
    src3 = edge_index[0].astype(jnp.int32).reshape(TILES, CHUNKS, K)
    dst3 = edge_index[1].astype(jnp.int32).reshape(TILES, CHUNKS, K)
    src4 = edge_index[0].astype(jnp.int32).reshape(TILES, AG_CO, AG_CI, AG_K)
    dst4 = edge_index[1].astype(jnp.int32).reshape(TILES, AG_CO, AG_CI, AG_K)
    ones8 = jnp.ones((K, 8), jnp.float32)
    zeros8 = jnp.zeros((N_PAD, 8), jnp.float32)
    degO16p, degI16p = _degrees(src3, dst3, ones8, zeros8)
    degO16, degI16 = degO16p[:N_NODES], degI16p[:N_NODES]
    xw0, xw1 = _mm1(in_feat, W1, degO16)
    zh = jnp.zeros((N_PAD, W1.shape[1] // 2), jnp.float32)
    a10, a11 = _aggregate(xw0, xw1, src4, dst4, zh, W1.shape[1] // 2)
    xv0, xv1 = _mm2(a10[:N_NODES], a11[:N_NODES], degI16, degO16,
                    b1.reshape(1, -1), W2)
    zo = jnp.zeros((N_PAD, W2.shape[1] // 2), jnp.float32)
    a20, a21 = _aggregate(xv0, xv1, src4, dst4, zo, W2.shape[1] // 2)
    out = _final(a20[:N_NODES], a21[:N_NODES], degI16, b2.reshape(1, -1))
    return out.reshape(W2.shape[1])

# --- scband reference (transcript-rebuilt; emitter-appended) ---
"""Pipeline reference for scband-gcn-16045997818198 (READ-ONLY COPY).

The authoritative reference and input builder live on the scoring server;
editing this copy changes nothing except your own understanding.
"""

import jax, jax.numpy as jnp
import numpy as np

N_NODES = 10000
N_EDGES = 320000
IN_FEATS = 128
H_FEATS = 256
OUT_FEATS = 128


def setup_inputs(seed: int = 0) -> dict:
    key = jax.random.key(seed)
    k1, k2, k3, k4, k5, k6 = jax.random.split(key, 6)
    in_feat = jax.random.normal(k1, (N_NODES, IN_FEATS), dtype=jnp.float32)
    edge_index = jax.random.randint(k2, (2, N_EDGES), 0, N_NODES, dtype=jnp.int64)
    # Glorot-style init for GraphConv weights, zeros for biases (DGL default)
    W1 = jax.random.normal(k3, (IN_FEATS, H_FEATS), dtype=jnp.float32) * (1.0 / np.sqrt(IN_FEATS))
    b1 = jnp.zeros((H_FEATS,), dtype=jnp.float32)
    W2 = jax.random.normal(k4, (H_FEATS, OUT_FEATS), dtype=jnp.float32) * (1.0 / np.sqrt(H_FEATS))
    b2 = jnp.zeros((OUT_FEATS,), dtype=jnp.float32)
    return {"in_feat": in_feat, "edge_index": edge_index, "W1": W1, "b1": b1, "W2": W2, "b2": b2}


def _graph_conv(x, src, dst, out_norm, in_norm, W, b):
    # DGL GraphConv with norm='both': x * D_out^{-1/2} -> linear -> sum-aggregate -> * D_in^{-1/2} -> + bias
    x = x * out_norm[:, None]
    x = x @ W
    msgs = jnp.take(x, src, axis=0)
    agg = jax.ops.segment_sum(msgs, dst, num_segments=N_NODES)
    agg = agg * in_norm[:, None]
    return agg + b


def reference(in_feat, edge_index, W1, b1, W2, b2):
    src = edge_index[0]
    dst = edge_index[1]
    out_deg = jnp.clip(jnp.bincount(src, length=N_NODES).astype(jnp.float32), 1.0, None)
    in_deg = jnp.clip(jnp.bincount(dst, length=N_NODES).astype(jnp.float32), 1.0, None)
    out_norm = jax.lax.rsqrt(out_deg)
    in_norm = jax.lax.rsqrt(in_deg)
    h = jax.nn.relu(_graph_conv(in_feat, src, dst, out_norm, in_norm, W1, b1))
    h = jax.nn.relu(_graph_conv(h, src, dst, out_norm, in_norm, W2, b2))
    # dgl.mean_nodes over a single (unbatched) graph: mean over all nodes
    return jnp.mean(h, axis=0)

if __name__ == "__main__":
    import jax
    _d = setup_inputs()
    print(jax.jit(kernel)(*tuple(_d.values())))

</pallas_src>

<mosaic_0001>
#map = affine_map<(d0, d1) -> (0, 0)>
#map1 = affine_map<(d0, d1) -> (0, 0, 0, 0)>
module attributes {stable_mosaic.version = 14 : i64} {
  func.func @agg_kernel(%arg0: i32, %arg1: i32, %arg2: memref<10000x128xf32, #tpu.memory_space<hbm>>, %arg3: memref<10000x128xf32, #tpu.memory_space<hbm>>, %arg4: memref<16x5x40x100xi32, #tpu.memory_space<hbm>>, %arg5: memref<16x5x40x100xi32, #tpu.memory_space<hbm>>, %arg6: memref<10240x128xf32, #tpu.memory_space<hbm>>, %arg7: memref<10240x128xf32, #tpu.memory_space<hbm>>, %arg8: memref<10240x128xf32, #tpu.memory_space<hbm>>, %arg9: memref<10240x128xf32, #tpu.memory_space<vmem_shared>>, %arg10: memref<40x100xi32, #tpu.memory_space<vmem>>, %arg11: memref<40x100xi32, #tpu.memory_space<vmem>>, %arg12: memref<100x128xf32, #tpu.memory_space<vmem>>, %arg13: memref<100x128xf32, #tpu.memory_space<vmem>>, %arg14: memref<!tpu.dma_semaphore, #tpu.memory_space<semaphore_mem>>, %arg15: memref<!tpu.dma_semaphore, #tpu.memory_space<semaphore_mem>>, %arg16: memref<!tpu.dma_semaphore, #tpu.memory_space<semaphore_mem>>, %arg17: memref<!tpu.dma_semaphore, #tpu.memory_space<semaphore_mem>>) attributes {dimension_semantics = [#tpu.dimension_semantics<core_parallel>, #tpu.dimension_semantics<subcore_parallel>], iteration_bounds = array<i64: 2, 16>, scalar_prefetch = 0 : i64, scratch_operands = 9 : i64, tpu.core_type = #tpu.core_type<sc_vector_subcore>, window_params = [{transform_indices = #map}, {transform_indices = #map}, {transform_indices = #map1}, {transform_indices = #map1}, {transform_indices = #map}, {transform_indices = #map}, {transform_indices = #map}]} {
    %mul3A = arith.constant 640 : i32
    %mul3A_0 = arith.muli %arg1, %mul3A : i32
    "tpu.region"() ({
      %run_scoped3A = tpu.sem_alloc : memref<!tpu.dma_semaphore, #tpu.memory_space<semaphore_mem>>
      %dma_start3A = arith.constant 0 : i32
      %dma_start3A_21 = tpu.memref_slice %arg9[%mul3A_0, %dma_start3A] : memref<10240x128xf32, #tpu.memory_space<vmem_shared>> -> memref<640x128xf32, #tpu.memory_space<vmem_shared>>
      %dma_start3A_22 = arith.constant 0 : i32
      %dma_start3A_23 = tpu.memref_slice %arg6[%mul3A_0, %dma_start3A_22] : memref<10240x128xf32, #tpu.memory_space<hbm>> -> memref<640x128xf32, #tpu.memory_space<hbm>>
      tpu.enqueue_dma source(%dma_start3A_23 : memref<640x128xf32, #tpu.memory_space<hbm>>) target(%dma_start3A_21 : memref<640x128xf32, #tpu.memory_space<vmem_shared>>) target_semaphore(%run_scoped3A : memref<!tpu.dma_semaphore, #tpu.memory_space<semaphore_mem>>)
      %dma_wait3A = arith.constant 0 : i32
      %dma_wait3A_24 = tpu.memref_slice %arg9[%mul3A_0, %dma_wait3A] : memref<10240x128xf32, #tpu.memory_space<vmem_shared>> -> memref<640x128xf32, #tpu.memory_space<vmem_shared>>
      %dma_wait3A_25 = arith.constant 0 : i32
      %dma_wait3A_26 = tpu.memref_slice %arg6[%mul3A_0, %dma_wait3A_25] : memref<10240x128xf32, #tpu.memory_space<hbm>> -> memref<640x128xf32, #tpu.memory_space<hbm>>
      tpu.wait_dma2 semaphore(%run_scoped3A : memref<!tpu.dma_semaphore, #tpu.memory_space<semaphore_mem>>) src(%dma_wait3A_26 : memref<640x128xf32, #tpu.memory_space<hbm>>) dst(%dma_wait3A_24 : memref<640x128xf32, #tpu.memory_space<vmem_shared>>)
      tpu.yield
    }) : () -> ()
    %barrier3A = arith.constant 0 : index
    tpu.barrier barrier_id(%barrier3A)
    %eq3A = arith.constant 0 : i32
    %eq3A_1 = arith.cmpi eq, %arg0, %eq3A : i32
    %convert_element_type3A = arith.extui %eq3A_1 : i1 to i32
    %cond3A = arith.constant 0 : i32
    %cond3A_2 = arith.cmpi ne, %convert_element_type3A, %cond3A : i32
    scf.if %cond3A_2 {
      %scan3A = arith.constant 0 : i32
      %scan3A_21 = arith.constant 0 : i32
      %scan3A_22 = arith.constant 5 : i32
      %scan3A_23 = arith.addi %scan3A_21, %scan3A_22 : i32
      %scan3A_24 = arith.constant 1 : i32
      scf.for %scan3A_26 = %scan3A_21 to %scan3A_23 step %scan3A_24  : i32 {
        "tpu.region"() ({
          %run_scoped3A = tpu.sem_alloc : memref<!tpu.dma_semaphore, #tpu.memory_space<semaphore_mem>>
          %dma_start3A_45 = arith.constant 0 : i32
          %dma_start3A_46 = arith.constant 0 : i32
          %dma_start3A_47 = tpu.memref_slice %arg4[%arg1, %scan3A_26, %dma_start3A_45, %dma_start3A_46] : memref<16x5x40x100xi32, #tpu.memory_space<hbm>> -> memref<1x1x40x100xi32, #tpu.memory_space<hbm>>
          %dma_start3A_48 = tpu.memref_squeeze %dma_start3A_47 : memref<1x1x40x100xi32, #tpu.memory_space<hbm>> -> memref<40x100xi32, #tpu.memory_space<hbm>>
          %dma_start3A_49 = arith.constant 0 : i32
          %dma_start3A_50 = arith.constant 0 : i32
          %dma_start3A_51 = tpu.memref_slice %arg4[%arg1, %scan3A_26, %dma_start3A_49, %dma_start3A_50] : memref<16x5x40x100xi32, #tpu.memory_space<hbm>> -> memref<1x1x40x100xi32, #tpu.memory_space<hbm>>
          %dma_start3A_52 = tpu.memref_squeeze %dma_start3A_51 : memref<1x1x40x100xi32, #tpu.memory_space<hbm>> -> memref<40x100xi32, #tpu.memory_space<hbm>>
          tpu.enqueue_dma source(%dma_start3A_52 : memref<40x100xi32, #tpu.memory_space<hbm>>) target(%arg10 : memref<40x100xi32, #tpu.memory_space<vmem>>) target_semaphore(%run_scoped3A : memref<!tpu.dma_semaphore, #tpu.memory_space<semaphore_mem>>)
          %dma_wait3A_53 = arith.constant 0 : i32
          %dma_wait3A_54 = arith.constant 0 : i32
          %dma_wait3A_55 = tpu.memref_slice %arg4[%arg1, %scan3A_26, %dma_wait3A_53, %dma_wait3A_54] : memref<16x5x40x100xi32, #tpu.memory_space<hbm>> -> memref<1x1x40x100xi32, #tpu.memory_space<hbm>>
          %dma_wait3A_56 = tpu.memref_squeeze %dma_wait3A_55 : memref<1x1x40x100xi32, #tpu.memory_space<hbm>> -> memref<40x100xi32, #tpu.memory_space<hbm>>
          %dma_wait3A_57 = arith.constant 0 : i32
          %dma_wait3A_58 = arith.constant 0 : i32
          %dma_wait3A_59 = tpu.memref_slice %arg4[%arg1, %scan3A_26, %dma_wait3A_57, %dma_wait3A_58] : memref<16x5x40x100xi32, #tpu.memory_space<hbm>> -> memref<1x1x40x100xi32, #tpu.memory_space<hbm>>
          %dma_wait3A_60 = tpu.memref_squeeze %dma_wait3A_59 : memref<1x1x40x100xi32, #tpu.memory_space<hbm>> -> memref<40x100xi32, #tpu.memory_space<hbm>>
          tpu.wait_dma2 semaphore(%run_scoped3A : memref<!tpu.dma_semaphore, #tpu.memory_space<semaphore_mem>>) src(%dma_wait3A_60 : memref<40x100xi32, #tpu.memory_space<hbm>>) dst(%arg10 : memref<40x100xi32, #tpu.memory_space<vmem>>)
          tpu.yield
        }) : () -> ()
        "tpu.region"() ({
          %run_scoped3A = tpu.sem_alloc : memref<!tpu.dma_semaphore, #tpu.memory_space<semaphore_mem>>
          %dma_start3A_45 = arith.constant 0 : i32
          %dma_start3A_46 = arith.constant 0 : i32
          %dma_start3A_47 = tpu.memref_slice %arg5[%arg1, %scan3A_26, %dma_start3A_45, %dma_start3A_46] : memref<16x5x40x100xi32, #tpu.memory_space<hbm>> -> memref<1x1x40x100xi32, #tpu.memory_space<hbm>>
          %dma_start3A_48 = tpu.memref_squeeze %dma_start3A_47 : memref<1x1x40x100xi32, #tpu.memory_space<hbm>> -> memref<40x100xi32, #tpu.memory_space<hbm>>
          %dma_start3A_49 = arith.constant 0 : i32
          %dma_start3A_50 = arith.constant 0 : i32
          %dma_start3A_51 = tpu.memref_slice %arg5[%arg1, %scan3A_26, %dma_start3A_49, %dma_start3A_50] : memref<16x5x40x100xi32, #tpu.memory_space<hbm>> -> memref<1x1x40x100xi32, #tpu.memory_space<hbm>>
          %dma_start3A_52 = tpu.memref_squeeze %dma_start3A_51 : memref<1x1x40x100xi32, #tpu.memory_space<hbm>> -> memref<40x100xi32, #tpu.memory_space<hbm>>
          tpu.enqueue_dma source(%dma_start3A_52 : memref<40x100xi32, #tpu.memory_space<hbm>>) target(%arg11 : memref<40x100xi32, #tpu.memory_space<vmem>>) target_semaphore(%run_scoped3A : memref<!tpu.dma_semaphore, #tpu.memory_space<semaphore_mem>>)
          %dma_wait3A_53 = arith.constant 0 : i32
          %dma_wait3A_54 = arith.constant 0 : i32
          %dma_wait3A_55 = tpu.memref_slice %arg5[%arg1, %scan3A_26, %dma_wait3A_53, %dma_wait3A_54] : memref<16x5x40x100xi32, #tpu.memory_space<hbm>> -> memref<1x1x40x100xi32, #tpu.memory_space<hbm>>
          %dma_wait3A_56 = tpu.memref_squeeze %dma_wait3A_55 : memref<1x1x40x100xi32, #tpu.memory_space<hbm>> -> memref<40x100xi32, #tpu.memory_space<hbm>>
          %dma_wait3A_57 = arith.constant 0 : i32
          %dma_wait3A_58 = arith.constant 0 : i32
          %dma_wait3A_59 = tpu.memref_slice %arg5[%arg1, %scan3A_26, %dma_wait3A_57, %dma_wait3A_58] : memref<16x5x40x100xi32, #tpu.memory_space<hbm>> -> memref<1x1x40x100xi32, #tpu.memory_space<hbm>>
          %dma_wait3A_60 = tpu.memref_squeeze %dma_wait3A_59 : memref<1x1x40x100xi32, #tpu.memory_space<hbm>> -> memref<40x100xi32, #tpu.memory_space<hbm>>
          tpu.wait_dma2 semaphore(%run_scoped3A : memref<!tpu.dma_semaphore, #tpu.memory_space<semaphore_mem>>) src(%dma_wait3A_60 : memref<40x100xi32, #tpu.memory_space<hbm>>) dst(%arg11 : memref<40x100xi32, #tpu.memory_space<vmem>>)
          tpu.yield
        }) : () -> ()
        %dma_start3A = arith.constant 0 : i32
        %dma_start3A_27 = arith.constant 0 : i32
        %dma_start3A_28 = tpu.memref_slice %arg10[%dma_start3A, %dma_start3A_27] : memref<40x100xi32, #tpu.memory_space<vmem>> -> memref<1x100xi32, #tpu.memory_space<vmem>>
        %dma_start3A_29 = tpu.memref_squeeze %dma_start3A_28 : memref<1x100xi32, #tpu.memory_space<vmem>> -> memref<100xi32, #tpu.memory_space<vmem>>
        %dma_start3A_30 = arith.constant 0 : i32
        %dma_start3A_31 = arith.constant 0 : i32
        %dma_start3A_32 = tpu.memref_slice %arg2[%dma_start3A_30, %dma_start3A_31] : memref<10000x128xf32, #tpu.memory_space<hbm>> -> memref<10000x128xf32, #tpu.memory_space<hbm>>
        tpu.enqueue_indirect_dma source(%dma_start3A_32 : memref<10000x128xf32, #tpu.memory_space<hbm>>) target(%arg12 : memref<100x128xf32, #tpu.memory_space<vmem>>) offsets(%dma_start3A_29 : memref<100xi32, #tpu.memory_space<vmem>>) semaphore(%arg14 : memref<!tpu.dma_semaphore, #tpu.memory_space<semaphore_mem>>)
        %scan3A_33 = arith.constant 0 : i32
        %scan3A_34 = arith.constant 0 : i32
        %scan3A_35 = arith.constant 20 : i32
        %scan3A_36 = arith.addi %scan3A_34, %scan3A_35 : i32
        %scan3A_37 = arith.constant 1 : i32
        scf.for %scan3A_45 = %scan3A_34 to %scan3A_36 step %scan3A_37  : i32 {
          %mul3A_46 = arith.constant 2 : i32
          %mul3A_47 = arith.muli %mul3A_46, %scan3A_45 : i32
          %dma_wait3A_48 = arith.constant 0 : i32
          %dma_wait3A_49 = arith.constant 0 : i32
          %dma_wait3A_50 = tpu.memref_slice %arg10[%dma_wait3A_48, %dma_wait3A_49] : memref<40x100xi32, #tpu.memory_space<vmem>> -> memref<1x100xi32, #tpu.memory_space<vmem>>
          %dma_wait3A_51 = tpu.memref_squeeze %dma_wait3A_50 : memref<1x100xi32, #tpu.memory_space<vmem>> -> memref<100xi32, #tpu.memory_space<vmem>>
          %dma_wait3A_52 = arith.constant 0 : i32
          %dma_wait3A_53 = arith.constant 0 : i32
          %dma_wait3A_54 = tpu.memref_slice %arg2[%dma_wait3A_52, %dma_wait3A_53] : memref<10000x128xf32, #tpu.memory_space<hbm>> -> memref<10000x128xf32, #tpu.memory_space<hbm>>
          tpu.wait_indirect_dma semaphore(%arg14 : memref<!tpu.dma_semaphore, #tpu.memory_space<semaphore_mem>>) src(%dma_wait3A_54 : memref<10000x128xf32, #tpu.memory_space<hbm>>) dst(%arg12 : memref<100x128xf32, #tpu.memory_space<vmem>>)
          %gt3A = arith.constant 0 : i32
          %gt3A_55 = arith.cmpi sgt, %scan3A_45, %gt3A : i32
          %convert_element_type3A_56 = arith.extui %gt3A_55 : i1 to i32
          %cond3A_57 = arith.constant 0 : i32
          %cond3A_58 = arith.cmpi ne, %convert_element_type3A_56, %cond3A_57 : i32
          scf.if %cond3A_58 {
            %dma_wait3A_98 = arith.constant 0 : i32
            %dma_wait3A_99 = arith.constant 0 : i32
            %dma_wait3A_100 = tpu.memref_slice %arg11[%dma_wait3A_98, %dma_wait3A_99] : memref<40x100xi32, #tpu.memory_space<vmem>> -> memref<1x100xi32, #tpu.memory_space<vmem>>
            %dma_wait3A_101 = tpu.memref_squeeze %dma_wait3A_100 : memref<1x100xi32, #tpu.memory_space<vmem>> -> memref<100xi32, #tpu.memory_space<vmem>>
            %dma_wait3A_102 = arith.constant 0 : i32
            %dma_wait3A_103 = arith.constant 0 : i32
            %dma_wait3A_104 = tpu.memref_slice %arg9[%dma_wait3A_102, %dma_wait3A_103] : memref<10240x128xf32, #tpu.memory_space<vmem_shared>> -> memref<10240x128xf32, #tpu.memory_space<vmem_shared>>
            tpu.wait_indirect_dma semaphore(%arg17 : memref<!tpu.dma_semaphore, #tpu.memory_space<semaphore_mem>>) src(%arg13 : memref<100x128xf32, #tpu.memory_space<vmem>>) dst(%dma_wait3A_104 : memref<10240x128xf32, #tpu.memory_space<vmem_shared>>)
          } else {
          }
          %add3A = arith.constant 1 : i32
          %add3A_59 = arith.addi %mul3A_47, %add3A : i32
          %dma_start3A_60 = arith.constant 0 : i32
          %dma_start3A_61 = tpu.memref_slice %arg10[%add3A_59, %dma_start3A_60] : memref<40x100xi32, #tpu.memory_space<vmem>> -> memref<1x100xi32, #tpu.memory_space<vmem>>
          %dma_start3A_62 = tpu.memref_squeeze %dma_start3A_61 : memref<1x100xi32, #tpu.memory_space<vmem>> -> memref<100xi32, #tpu.memory_space<vmem>>
          %dma_start3A_63 = arith.constant 0 : i32
          %dma_start3A_64 = arith.constant 0 : i32
          %dma_start3A_65 = tpu.memref_slice %arg2[%dma_start3A_63, %dma_start3A_64] : memref<10000x128xf32, #tpu.memory_space<hbm>> -> memref<10000x128xf32, #tpu.memory_space<hbm>>
          tpu.enqueue_indirect_dma source(%dma_start3A_65 : memref<10000x128xf32, #tpu.memory_space<hbm>>) target(%arg13 : memref<100x128xf32, #tpu.memory_space<vmem>>) offsets(%dma_start3A_62 : memref<100xi32, #tpu.memory_space<vmem>>) semaphore(%arg15 : memref<!tpu.dma_semaphore, #tpu.memory_space<semaphore_mem>>)
          %dma_start3A_66 = arith.constant 0 : i32
          %dma_start3A_67 = tpu.memref_slice %arg11[%mul3A_47, %dma_start3A_66] : memref<40x100xi32, #tpu.memory_space<vmem>> -> memref<1x100xi32, #tpu.memory_space<vmem>>
          %dma_start3A_68 = tpu.memref_squeeze %dma_start3A_67 : memref<1x100xi32, #tpu.memory_space<vmem>> -> memref<100xi32, #tpu.memory_space<vmem>>
          %dma_start3A_69 = arith.constant 0 : i32
          %dma_start3A_70 = arith.constant 0 : i32
          %dma_start3A_71 = tpu.memref_slice %arg9[%dma_start3A_69, %dma_start3A_70] : memref<10240x128xf32, #tpu.memory_space<vmem_shared>> -> memref<10240x128xf32, #tpu.memory_space<vmem_shared>>
          tpu.enqueue_indirect_dma source(%arg12 : memref<100x128xf32, #tpu.memory_space<vmem>>) target(%dma_start3A_71 : memref<10240x128xf32, #tpu.memory_space<vmem_shared>>) offsets(%dma_start3A_68 : memref<100xi32, #tpu.memory_space<vmem>>) semaphore(%arg16 : memref<!tpu.dma_semaphore, #tpu.memory_space<semaphore_mem>>) {add = true}
          %dma_wait3A_72 = arith.constant 0 : i32
          %dma_wait3A_73 = arith.constant 0 : i32
          %dma_wait3A_74 = tpu.memref_slice %arg10[%dma_wait3A_72, %dma_wait3A_73] : memref<40x100xi32, #tpu.memory_space<vmem>> -> memref<1x100xi32, #tpu.memory_space<vmem>>
          %dma_wait3A_75 = tpu.memref_squeeze %dma_wait3A_74 : memref<1x100xi32, #tpu.memory_space<vmem>> -> memref<100xi32, #tpu.memory_space<vmem>>
          %dma_wait3A_76 = arith.constant 0 : i32
          %dma_wait3A_77 = arith.constant 0 : i32
          %dma_wait3A_78 = tpu.memref_slice %arg2[%dma_wait3A_76, %dma_wait3A_77] : memref<10000x128xf32, #tpu.memory_space<hbm>> -> memref<10000x128xf32, #tpu.memory_space<hbm>>
          tpu.wait_indirect_dma semaphore(%arg15 : memref<!tpu.dma_semaphore, #tpu.memory_space<semaphore_mem>>) src(%dma_wait3A_78 : memref<10000x128xf32, #tpu.memory_space<hbm>>) dst(%arg13 : memref<100x128xf32, #tpu.memory_space<vmem>>)
          %dma_wait3A_79 = arith.constant 0 : i32
          %dma_wait3A_80 = arith.constant 0 : i32
          %dma_wait3A_81 = tpu.memref_slice %arg11[%dma_wait3A_79, %dma_wait3A_80] : memref<40x100xi32, #tpu.memory_space<vmem>> -> memref<1x100xi32, #tpu.memory_space<vmem>>
          %dma_wait3A_82 = tpu.memref_squeeze %dma_wait3A_81 : memref<1x100xi32, #tpu.memory_space<vmem>> -> memref<100xi32, #tpu.memory_space<vmem>>
          %dma_wait3A_83 = arith.constant 0 : i32
          %dma_wait3A_84 = arith.constant 0 : i32
          %dma_wait3A_85 = tpu.memref_slice %arg9[%dma_wait3A_83, %dma_wait3A_84] : memref<10240x128xf32, #tpu.memory_space<vmem_shared>> -> memref<10240x128xf32, #tpu.memory_space<vmem_shared>>
          tpu.wait_indirect_dma semaphore(%arg16 : memref<!tpu.dma_semaphore, #tpu.memory_space<semaphore_mem>>) src(%arg12 : memref<100x128xf32, #tpu.memory_space<vmem>>) dst(%dma_wait3A_85 : memref<10240x128xf32, #tpu.memory_space<vmem_shared>>)
          %lt3A = arith.constant 19 : i32
          %lt3A_86 = arith.cmpi slt, %scan3A_45, %lt3A : i32
          %convert_element_type3A_87 = arith.extui %lt3A_86 : i1 to i32
          %cond3A_88 = arith.constant 0 : i32
          %cond3A_89 = arith.cmpi ne, %convert_element_type3A_87, %cond3A_88 : i32
          scf.if %cond3A_89 {
            %add3A_98 = arith.constant 2 : i32
            %add3A_99 = arith.addi %mul3A_47, %add3A_98 : i32
            %dma_start3A_100 = arith.constant 0 : i32
            %dma_start3A_101 = tpu.memref_slice %arg10[%add3A_99, %dma_start3A_100] : memref<40x100xi32, #tpu.memory_space<vmem>> -> memref<1x100xi32, #tpu.memory_space<vmem>>
            %dma_start3A_102 = tpu.memref_squeeze %dma_start3A_101 : memref<1x100xi32, #tpu.memory_space<vmem>> -> memref<100xi32, #tpu.memory_space<vmem>>
            %dma_start3A_103 = arith.constant 0 : i32
            %dma_start3A_104 = arith.constant 0 : i32
            %dma_start3A_105 = tpu.memref_slice %arg2[%dma_start3A_103, %dma_start3A_104] : memref<10000x128xf32, #tpu.memory_space<hbm>> -> memref<10000x128xf32, #tpu.memory_space<hbm>>
            tpu.enqueue_indirect_dma source(%dma_start3A_105 : memref<10000x128xf32, #tpu.memory_space<hbm>>) target(%arg12 : memref<100x128xf32, #tpu.memory_space<vmem>>) offsets(%dma_start3A_102 : memref<100xi32, #tpu.memory_space<vmem>>) semaphore(%arg14 : memref<!tpu.dma_semaphore, #tpu.memory_space<semaphore_mem>>)
          } else {
          }
          %add3A_90 = arith.constant 1 : i32
          %add3A_91 = arith.addi %mul3A_47, %add3A_90 : i32
          %dma_start3A_92 = arith.constant 0 : i32
          %dma_start3A_93 = tpu.memref_slice %arg11[%add3A_91, %dma_start3A_92] : memref<40x100xi32, #tpu.memory_space<vmem>> -> memref<1x100xi32, #tpu.memory_space<vmem>>
          %dma_start3A_94 = tpu.memref_squeeze %dma_start3A_93 : memref<1x100xi32, #tpu.memory_space<vmem>> -> memref<100xi32, #tpu.memory_space<vmem>>
          %dma_start3A_95 = arith.constant 0 : i32
          %dma_start3A_96 = arith.constant 0 : i32
          %dma_start3A_97 = tpu.memref_slice %arg9[%dma_start3A_95, %dma_start3A_96] : memref<10240x128xf32, #tpu.memory_space<vmem_shared>> -> memref<10240x128xf32, #tpu.memory_space<vmem_shared>>
          tpu.enqueue_indirect_dma source(%arg13 : memref<100x128xf32, #tpu.memory_space<vmem>>) target(%dma_start3A_97 : memref<10240x128xf32, #tpu.memory_space<vmem_shared>>) offsets(%dma_start3A_94 : memref<100xi32, #tpu.memory_space<vmem>>) semaphore(%arg17 : memref<!tpu.dma_semaphore, #tpu.memory_space<semaphore_mem>>) {add = true}
        }
        %scan3A_38 = arith.constant 20 : i32
        %dma_wait3A = arith.constant 0 : i32
        %dma_wait3A_39 = arith.constant 0 : i32
        %dma_wait3A_40 = tpu.memref_slice %arg11[%dma_wait3A, %dma_wait3A_39] : memref<40x100xi32, #tpu.memory_space<vmem>> -> memref<1x100xi32, #tpu.memory_space<vmem>>
        %dma_wait3A_41 = tpu.memref_squeeze %dma_wait3A_40 : memref<1x100xi32, #tpu.memory_space<vmem>> -> memref<100xi32, #tpu.memory_space<vmem>>
        %dma_wait3A_42 = arith.constant 0 : i32
        %dma_wait3A_43 = arith.constant 0 : i32
        %dma_wait3A_44 = tpu.memref_slice %arg9[%dma_wait3A_42, %dma_wait3A_43] : memref<10240x128xf32, #tpu.memory_space<vmem_shared>> -> memref<10240x128xf32, #tpu.memory_space<vmem_shared>>
        tpu.wait_indirect_dma semaphore(%arg17 : memref<!tpu.dma_semaphore, #tpu.memory_space<semaphore_mem>>) src(%arg13 : memref<100x128xf32, #tpu.memory_space<vmem>>) dst(%dma_wait3A_44 : memref<10240x128xf32, #tpu.memory_space<vmem_shared>>)
      }
      %scan3A_25 = arith.constant 5 : i32
    } else {
    }
    %eq3A_3 = arith.constant 1 : i32
    %eq3A_4 = arith.cmpi eq, %arg0, %eq3A_3 : i32
    %convert_element_type3A_5 = arith.extui %eq3A_4 : i1 to i32
    %cond3A_6 = arith.constant 0 : i32
    %cond3A_7 = arith.cmpi ne, %convert_element_type3A_5, %cond3A_6 : i32
    scf.if %cond3A_7 {
      %scan3A = arith.constant 0 : i32
      %scan3A_21 = arith.constant 0 : i32
      %scan3A_22 = arith.constant 5 : i32
      %scan3A_23 = arith.addi %scan3A_21, %scan3A_22 : i32
      %scan3A_24 = arith.constant 1 : i32
      scf.for %scan3A_26 = %scan3A_21 to %scan3A_23 step %scan3A_24  : i32 {
        "tpu.region"() ({
          %run_scoped3A = tpu.sem_alloc : memref<!tpu.dma_semaphore, #tpu.memory_space<semaphore_mem>>
          %dma_start3A_45 = arith.constant 0 : i32
          %dma_start3A_46 = arith.constant 0 : i32
          %dma_start3A_47 = tpu.memref_slice %arg4[%arg1, %scan3A_26, %dma_start3A_45, %dma_start3A_46] : memref<16x5x40x100xi32, #tpu.memory_space<hbm>> -> memref<1x1x40x100xi32, #tpu.memory_space<hbm>>
          %dma_start3A_48 = tpu.memref_squeeze %dma_start3A_47 : memref<1x1x40x100xi32, #tpu.memory_space<hbm>> -> memref<40x100xi32, #tpu.memory_space<hbm>>
          %dma_start3A_49 = arith.constant 0 : i32
          %dma_start3A_50 = arith.constant 0 : i32
          %dma_start3A_51 = tpu.memref_slice %arg4[%arg1, %scan3A_26, %dma_start3A_49, %dma_start3A_50] : memref<16x5x40x100xi32, #tpu.memory_space<hbm>> -> memref<1x1x40x100xi32, #tpu.memory_space<hbm>>
          %dma_start3A_52 = tpu.memref_squeeze %dma_start3A_51 : memref<1x1x40x100xi32, #tpu.memory_space<hbm>> -> memref<40x100xi32, #tpu.memory_space<hbm>>
          tpu.enqueue_dma source(%dma_start3A_52 : memref<40x100xi32, #tpu.memory_space<hbm>>) target(%arg10 : memref<40x100xi32, #tpu.memory_space<vmem>>) target_semaphore(%run_scoped3A : memref<!tpu.dma_semaphore, #tpu.memory_space<semaphore_mem>>)
          %dma_wait3A_53 = arith.constant 0 : i32
          %dma_wait3A_54 = arith.constant 0 : i32
          %dma_wait3A_55 = tpu.memref_slice %arg4[%arg1, %scan3A_26, %dma_wait3A_53, %dma_wait3A_54] : memref<16x5x40x100xi32, #tpu.memory_space<hbm>> -> memref<1x1x40x100xi32, #tpu.memory_space<hbm>>
          %dma_wait3A_56 = tpu.memref_squeeze %dma_wait3A_55 : memref<1x1x40x100xi32, #tpu.memory_space<hbm>> -> memref<40x100xi32, #tpu.memory_space<hbm>>
          %dma_wait3A_57 = arith.constant 0 : i32
          %dma_wait3A_58 = arith.constant 0 : i32
          %dma_wait3A_59 = tpu.memref_slice %arg4[%arg1, %scan3A_26, %dma_wait3A_57, %dma_wait3A_58] : memref<16x5x40x100xi32, #tpu.memory_space<hbm>> -> memref<1x1x40x100xi32, #tpu.memory_space<hbm>>
          %dma_wait3A_60 = tpu.memref_squeeze %dma_wait3A_59 : memref<1x1x40x100xi32, #tpu.memory_space<hbm>> -> memref<40x100xi32, #tpu.memory_space<hbm>>
          tpu.wait_dma2 semaphore(%run_scoped3A : memref<!tpu.dma_semaphore, #tpu.memory_space<semaphore_mem>>) src(%dma_wait3A_60 : memref<40x100xi32, #tpu.memory_space<hbm>>) dst(%arg10 : memref<40x100xi32, #tpu.memory_space<vmem>>)
          tpu.yield
        }) : () -> ()
        "tpu.region"() ({
          %run_scoped3A = tpu.sem_alloc : memref<!tpu.dma_semaphore, #tpu.memory_space<semaphore_mem>>
          %dma_start3A_45 = arith.constant 0 : i32
          %dma_start3A_46 = arith.constant 0 : i32
          %dma_start3A_47 = tpu.memref_slice %arg5[%arg1, %scan3A_26, %dma_start3A_45, %dma_start3A_46] : memref<16x5x40x100xi32, #tpu.memory_space<hbm>> -> memref<1x1x40x100xi32, #tpu.memory_space<hbm>>
          %dma_start3A_48 = tpu.memref_squeeze %dma_start3A_47 : memref<1x1x40x100xi32, #tpu.memory_space<hbm>> -> memref<40x100xi32, #tpu.memory_space<hbm>>
          %dma_start3A_49 = arith.constant 0 : i32
          %dma_start3A_50 = arith.constant 0 : i32
          %dma_start3A_51 = tpu.memref_slice %arg5[%arg1, %scan3A_26, %dma_start3A_49, %dma_start3A_50] : memref<16x5x40x100xi32, #tpu.memory_space<hbm>> -> memref<1x1x40x100xi32, #tpu.memory_space<hbm>>
          %dma_start3A_52 = tpu.memref_squeeze %dma_start3A_51 : memref<1x1x40x100xi32, #tpu.memory_space<hbm>> -> memref<40x100xi32, #tpu.memory_space<hbm>>
          tpu.enqueue_dma source(%dma_start3A_52 : memref<40x100xi32, #tpu.memory_space<hbm>>) target(%arg11 : memref<40x100xi32, #tpu.memory_space<vmem>>) target_semaphore(%run_scoped3A : memref<!tpu.dma_semaphore, #tpu.memory_space<semaphore_mem>>)
          %dma_wait3A_53 = arith.constant 0 : i32
          %dma_wait3A_54 = arith.constant 0 : i32
          %dma_wait3A_55 = tpu.memref_slice %arg5[%arg1, %scan3A_26, %dma_wait3A_53, %dma_wait3A_54] : memref<16x5x40x100xi32, #tpu.memory_space<hbm>> -> memref<1x1x40x100xi32, #tpu.memory_space<hbm>>
          %dma_wait3A_56 = tpu.memref_squeeze %dma_wait3A_55 : memref<1x1x40x100xi32, #tpu.memory_space<hbm>> -> memref<40x100xi32, #tpu.memory_space<hbm>>
          %dma_wait3A_57 = arith.constant 0 : i32
          %dma_wait3A_58 = arith.constant 0 : i32
          %dma_wait3A_59 = tpu.memref_slice %arg5[%arg1, %scan3A_26, %dma_wait3A_57, %dma_wait3A_58] : memref<16x5x40x100xi32, #tpu.memory_space<hbm>> -> memref<1x1x40x100xi32, #tpu.memory_space<hbm>>
          %dma_wait3A_60 = tpu.memref_squeeze %dma_wait3A_59 : memref<1x1x40x100xi32, #tpu.memory_space<hbm>> -> memref<40x100xi32, #tpu.memory_space<hbm>>
          tpu.wait_dma2 semaphore(%run_scoped3A : memref<!tpu.dma_semaphore, #tpu.memory_space<semaphore_mem>>) src(%dma_wait3A_60 : memref<40x100xi32, #tpu.memory_space<hbm>>) dst(%arg11 : memref<40x100xi32, #tpu.memory_space<vmem>>)
          tpu.yield
        }) : () -> ()
        %dma_start3A = arith.constant 0 : i32
        %dma_start3A_27 = arith.constant 0 : i32
        %dma_start3A_28 = tpu.memref_slice %arg10[%dma_start3A, %dma_start3A_27] : memref<40x100xi32, #tpu.memory_space<vmem>> -> memref<1x100xi32, #tpu.memory_space<vmem>>
        %dma_start3A_29 = tpu.memref_squeeze %dma_start3A_28 : memref<1x100xi32, #tpu.memory_space<vmem>> -> memref<100xi32, #tpu.memory_space<vmem>>
        %dma_start3A_30 = arith.constant 0 : i32
        %dma_start3A_31 = arith.constant 0 : i32
        %dma_start3A_32 = tpu.memref_slice %arg3[%dma_start3A_30, %dma_start3A_31] : memref<10000x128xf32, #tpu.memory_space<hbm>> -> memref<10000x128xf32, #tpu.memory_space<hbm>>
        tpu.enqueue_indirect_dma source(%dma_start3A_32 : memref<10000x128xf32, #tpu.memory_space<hbm>>) target(%arg12 : memref<100x128xf32, #tpu.memory_space<vmem>>) offsets(%dma_start3A_29 : memref<100xi32, #tpu.memory_space<vmem>>) semaphore(%arg14 : memref<!tpu.dma_semaphore, #tpu.memory_space<semaphore_mem>>)
        %scan3A_33 = arith.constant 0 : i32
        %scan3A_34 = arith.constant 0 : i32
        %scan3A_35 = arith.constant 20 : i32
        %scan3A_36 = arith.addi %scan3A_34, %scan3A_35 : i32
        %scan3A_37 = arith.constant 1 : i32
        scf.for %scan3A_45 = %scan3A_34 to %scan3A_36 step %scan3A_37  : i32 {
          %mul3A_46 = arith.constant 2 : i32
          %mul3A_47 = arith.muli %mul3A_46, %scan3A_45 : i32
          %dma_wait3A_48 = arith.constant 0 : i32
          %dma_wait3A_49 = arith.constant 0 : i32
          %dma_wait3A_50 = tpu.memref_slice %arg10[%dma_wait3A_48, %dma_wait3A_49] : memref<40x100xi32, #tpu.memory_space<vmem>> -> memref<1x100xi32, #tpu.memory_space<vmem>>
          %dma_wait3A_51 = tpu.memref_squeeze %dma_wait3A_50 : memref<1x100xi32, #tpu.memory_space<vmem>> -> memref<100xi32, #tpu.memory_space<vmem>>
          %dma_wait3A_52 = arith.constant 0 : i32
          %dma_wait3A_53 = arith.constant 0 : i32
          %dma_wait3A_54 = tpu.memref_slice %arg3[%dma_wait3A_52, %dma_wait3A_53] : memref<10000x128xf32, #tpu.memory_space<hbm>> -> memref<10000x128xf32, #tpu.memory_space<hbm>>
          tpu.wait_indirect_dma semaphore(%arg14 : memref<!tpu.dma_semaphore, #tpu.memory_space<semaphore_mem>>) src(%dma_wait3A_54 : memref<10000x128xf32, #tpu.memory_space<hbm>>) dst(%arg12 : memref<100x128xf32, #tpu.memory_space<vmem>>)
          %gt3A = arith.constant 0 : i32
          %gt3A_55 = arith.cmpi sgt, %scan3A_45, %gt3A : i32
          %convert_element_type3A_56 = arith.extui %gt3A_55 : i1 to i32
          %cond3A_57 = arith.constant 0 : i32
          %cond3A_58 = arith.cmpi ne, %convert_element_type3A_56, %cond3A_57 : i32
          scf.if %cond3A_58 {
            %dma_wait3A_98 = arith.constant 0 : i32
            %dma_wait3A_99 = arith.constant 0 : i32
            %dma_wait3A_100 = tpu.memref_slice %arg11[%dma_wait3A_98, %dma_wait3A_99] : memref<40x100xi32, #tpu.memory_space<vmem>> -> memref<1x100xi32, #tpu.memory_space<vmem>>
            %dma_wait3A_101 = tpu.memref_squeeze %dma_wait3A_100 : memref<1x100xi32, #tpu.memory_space<vmem>> -> memref<100xi32, #tpu.memory_space<vmem>>
            %dma_wait3A_102 = arith.constant 0 : i32
            %dma_wait3A_103 = arith.constant 0 : i32
            %dma_wait3A_104 = tpu.memref_slice %arg9[%dma_wait3A_102, %dma_wait3A_103] : memref<10240x128xf32, #tpu.memory_space<vmem_shared>> -> memref<10240x128xf32, #tpu.memory_space<vmem_shared>>
            tpu.wait_indirect_dma semaphore(%arg17 : memref<!tpu.dma_semaphore, #tpu.memory_space<semaphore_mem>>) src(%arg13 : memref<100x128xf32, #tpu.memory_space<vmem>>) dst(%dma_wait3A_104 : memref<10240x128xf32, #tpu.memory_space<vmem_shared>>)
          } else {
          }
          %add3A = arith.constant 1 : i32
          %add3A_59 = arith.addi %mul3A_47, %add3A : i32
          %dma_start3A_60 = arith.constant 0 : i32
          %dma_start3A_61 = tpu.memref_slice %arg10[%add3A_59, %dma_start3A_60] : memref<40x100xi32, #tpu.memory_space<vmem>> -> memref<1x100xi32, #tpu.memory_space<vmem>>
          %dma_start3A_62 = tpu.memref_squeeze %dma_start3A_61 : memref<1x100xi32, #tpu.memory_space<vmem>> -> memref<100xi32, #tpu.memory_space<vmem>>
          %dma_start3A_63 = arith.constant 0 : i32
          %dma_start3A_64 = arith.constant 0 : i32
          %dma_start3A_65 = tpu.memref_slice %arg3[%dma_start3A_63, %dma_start3A_64] : memref<10000x128xf32, #tpu.memory_space<hbm>> -> memref<10000x128xf32, #tpu.memory_space<hbm>>
          tpu.enqueue_indirect_dma source(%dma_start3A_65 : memref<10000x128xf32, #tpu.memory_space<hbm>>) target(%arg13 : memref<100x128xf32, #tpu.memory_space<vmem>>) offsets(%dma_start3A_62 : memref<100xi32, #tpu.memory_space<vmem>>) semaphore(%arg15 : memref<!tpu.dma_semaphore, #tpu.memory_space<semaphore_mem>>)
          %dma_start3A_66 = arith.constant 0 : i32
          %dma_start3A_67 = tpu.memref_slice %arg11[%mul3A_47, %dma_start3A_66] : memref<40x100xi32, #tpu.memory_space<vmem>> -> memref<1x100xi32, #tpu.memory_space<vmem>>
          %dma_start3A_68 = tpu.memref_squeeze %dma_start3A_67 : memref<1x100xi32, #tpu.memory_space<vmem>> -> memref<100xi32, #tpu.memory_space<vmem>>
          %dma_start3A_69 = arith.constant 0 : i32
          %dma_start3A_70 = arith.constant 0 : i32
          %dma_start3A_71 = tpu.memref_slice %arg9[%dma_start3A_69, %dma_start3A_70] : memref<10240x128xf32, #tpu.memory_space<vmem_shared>> -> memref<10240x128xf32, #tpu.memory_space<vmem_shared>>
          tpu.enqueue_indirect_dma source(%arg12 : memref<100x128xf32, #tpu.memory_space<vmem>>) target(%dma_start3A_71 : memref<10240x128xf32, #tpu.memory_space<vmem_shared>>) offsets(%dma_start3A_68 : memref<100xi32, #tpu.memory_space<vmem>>) semaphore(%arg16 : memref<!tpu.dma_semaphore, #tpu.memory_space<semaphore_mem>>) {add = true}
          %dma_wait3A_72 = arith.constant 0 : i32
          %dma_wait3A_73 = arith.constant 0 : i32
          %dma_wait3A_74 = tpu.memref_slice %arg10[%dma_wait3A_72, %dma_wait3A_73] : memref<40x100xi32, #tpu.memory_space<vmem>> -> memref<1x100xi32, #tpu.memory_space<vmem>>
          %dma_wait3A_75 = tpu.memref_squeeze %dma_wait3A_74 : memref<1x100xi32, #tpu.memory_space<vmem>> -> memref<100xi32, #tpu.memory_space<vmem>>
          %dma_wait3A_76 = arith.constant 0 : i32
          %dma_wait3A_77 = arith.constant 0 : i32
          %dma_wait3A_78 = tpu.memref_slice %arg3[%dma_wait3A_76, %dma_wait3A_77] : memref<10000x128xf32, #tpu.memory_space<hbm>> -> memref<10000x128xf32, #tpu.memory_space<hbm>>
          tpu.wait_indirect_dma semaphore(%arg15 : memref<!tpu.dma_semaphore, #tpu.memory_space<semaphore_mem>>) src(%dma_wait3A_78 : memref<10000x128xf32, #tpu.memory_space<hbm>>) dst(%arg13 : memref<100x128xf32, #tpu.memory_space<vmem>>)
          %dma_wait3A_79 = arith.constant 0 : i32
          %dma_wait3A_80 = arith.constant 0 : i32
          %dma_wait3A_81 = tpu.memref_slice %arg11[%dma_wait3A_79, %dma_wait3A_80] : memref<40x100xi32, #tpu.memory_space<vmem>> -> memref<1x100xi32, #tpu.memory_space<vmem>>
          %dma_wait3A_82 = tpu.memref_squeeze %dma_wait3A_81 : memref<1x100xi32, #tpu.memory_space<vmem>> -> memref<100xi32, #tpu.memory_space<vmem>>
          %dma_wait3A_83 = arith.constant 0 : i32
          %dma_wait3A_84 = arith.constant 0 : i32
          %dma_wait3A_85 = tpu.memref_slice %arg9[%dma_wait3A_83, %dma_wait3A_84] : memref<10240x128xf32, #tpu.memory_space<vmem_shared>> -> memref<10240x128xf32, #tpu.memory_space<vmem_shared>>
          tpu.wait_indirect_dma semaphore(%arg16 : memref<!tpu.dma_semaphore, #tpu.memory_space<semaphore_mem>>) src(%arg12 : memref<100x128xf32, #tpu.memory_space<vmem>>) dst(%dma_wait3A_85 : memref<10240x128xf32, #tpu.memory_space<vmem_shared>>)
          %lt3A = arith.constant 19 : i32
          %lt3A_86 = arith.cmpi slt, %scan3A_45, %lt3A : i32
          %convert_element_type3A_87 = arith.extui %lt3A_86 : i1 to i32
          %cond3A_88 = arith.constant 0 : i32
          %cond3A_89 = arith.cmpi ne, %convert_element_type3A_87, %cond3A_88 : i32
          scf.if %cond3A_89 {
            %add3A_98 = arith.constant 2 : i32
            %add3A_99 = arith.addi %mul3A_47, %add3A_98 : i32
            %dma_start3A_100 = arith.constant 0 : i32
            %dma_start3A_101 = tpu.memref_slice %arg10[%add3A_99, %dma_start3A_100] : memref<40x100xi32, #tpu.memory_space<vmem>> -> memref<1x100xi32, #tpu.memory_space<vmem>>
            %dma_start3A_102 = tpu.memref_squeeze %dma_start3A_101 : memref<1x100xi32, #tpu.memory_space<vmem>> -> memref<100xi32, #tpu.memory_space<vmem>>
            %dma_start3A_103 = arith.constant 0 : i32
            %dma_start3A_104 = arith.constant 0 : i32
            %dma_start3A_105 = tpu.memref_slice %arg3[%dma_start3A_103, %dma_start3A_104] : memref<10000x128xf32, #tpu.memory_space<hbm>> -> memref<10000x128xf32, #tpu.memory_space<hbm>>
            tpu.enqueue_indirect_dma source(%dma_start3A_105 : memref<10000x128xf32, #tpu.memory_space<hbm>>) target(%arg12 : memref<100x128xf32, #tpu.memory_space<vmem>>) offsets(%dma_start3A_102 : memref<100xi32, #tpu.memory_space<vmem>>) semaphore(%arg14 : memref<!tpu.dma_semaphore, #tpu.memory_space<semaphore_mem>>)
          } else {
          }
          %add3A_90 = arith.constant 1 : i32
          %add3A_91 = arith.addi %mul3A_47, %add3A_90 : i32
          %dma_start3A_92 = arith.constant 0 : i32
          %dma_start3A_93 = tpu.memref_slice %arg11[%add3A_91, %dma_start3A_92] : memref<40x100xi32, #tpu.memory_space<vmem>> -> memref<1x100xi32, #tpu.memory_space<vmem>>
          %dma_start3A_94 = tpu.memref_squeeze %dma_start3A_93 : memref<1x100xi32, #tpu.memory_space<vmem>> -> memref<100xi32, #tpu.memory_space<vmem>>
          %dma_start3A_95 = arith.constant 0 : i32
          %dma_start3A_96 = arith.constant 0 : i32
          %dma_start3A_97 = tpu.memref_slice %arg9[%dma_start3A_95, %dma_start3A_96] : memref<10240x128xf32, #tpu.memory_space<vmem_shared>> -> memref<10240x128xf32, #tpu.memory_space<vmem_shared>>
          tpu.enqueue_indirect_dma source(%arg13 : memref<100x128xf32, #tpu.memory_space<vmem>>) target(%dma_start3A_97 : memref<10240x128xf32, #tpu.memory_space<vmem_shared>>) offsets(%dma_start3A_94 : memref<100xi32, #tpu.memory_space<vmem>>) semaphore(%arg17 : memref<!tpu.dma_semaphore, #tpu.memory_space<semaphore_mem>>) {add = true}
        }
        %scan3A_38 = arith.constant 20 : i32
        %dma_wait3A = arith.constant 0 : i32
        %dma_wait3A_39 = arith.constant 0 : i32
        %dma_wait3A_40 = tpu.memref_slice %arg11[%dma_wait3A, %dma_wait3A_39] : memref<40x100xi32, #tpu.memory_space<vmem>> -> memref<1x100xi32, #tpu.memory_space<vmem>>
        %dma_wait3A_41 = tpu.memref_squeeze %dma_wait3A_40 : memref<1x100xi32, #tpu.memory_space<vmem>> -> memref<100xi32, #tpu.memory_space<vmem>>
        %dma_wait3A_42 = arith.constant 0 : i32
        %dma_wait3A_43 = arith.constant 0 : i32
        %dma_wait3A_44 = tpu.memref_slice %arg9[%dma_wait3A_42, %dma_wait3A_43] : memref<10240x128xf32, #tpu.memory_space<vmem_shared>> -> memref<10240x128xf32, #tpu.memory_space<vmem_shared>>
        tpu.wait_indirect_dma semaphore(%arg17 : memref<!tpu.dma_semaphore, #tpu.memory_space<semaphore_mem>>) src(%arg13 : memref<100x128xf32, #tpu.memory_space<vmem>>) dst(%dma_wait3A_44 : memref<10240x128xf32, #tpu.memory_space<vmem_shared>>)
      }
      %scan3A_25 = arith.constant 5 : i32
    } else {
    }
    %barrier3A_8 = arith.constant 0 : index
    tpu.barrier barrier_id(%barrier3A_8)
    %mul3A_9 = arith.constant 640 : i32
    %mul3A_10 = arith.muli %arg1, %mul3A_9 : i32
    %eq3A_11 = arith.constant 0 : i32
    %eq3A_12 = arith.cmpi eq, %arg0, %eq3A_11 : i32
    %convert_element_type3A_13 = arith.extui %eq3A_12 : i1 to i32
    %cond3A_14 = arith.constant 0 : i32
    %cond3A_15 = arith.cmpi ne, %convert_element_type3A_13, %cond3A_14 : i32
    scf.if %cond3A_15 {
      "tpu.region"() ({
        %run_scoped3A = tpu.sem_alloc : memref<!tpu.dma_semaphore, #tpu.memory_space<semaphore_mem>>
        %dma_start3A = arith.constant 0 : i32
        %dma_start3A_21 = tpu.memref_slice %arg7[%mul3A_10, %dma_start3A] : memref<10240x128xf32, #tpu.memory_space<hbm>> -> memref<640x128xf32, #tpu.memory_space<hbm>>
        %dma_start3A_22 = arith.constant 0 : i32
        %dma_start3A_23 = tpu.memref_slice %arg9[%mul3A_10, %dma_start3A_22] : memref<10240x128xf32, #tpu.memory_space<vmem_shared>> -> memref<640x128xf32, #tpu.memory_space<vmem_shared>>
        tpu.enqueue_dma source(%dma_start3A_23 : memref<640x128xf32, #tpu.memory_space<vmem_shared>>) target(%dma_start3A_21 : memref<640x128xf32, #tpu.memory_space<hbm>>) target_semaphore(%run_scoped3A : memref<!tpu.dma_semaphore, #tpu.memory_space<semaphore_mem>>)
        %dma_wait3A = arith.constant 0 : i32
        %dma_wait3A_24 = tpu.memref_slice %arg7[%mul3A_10, %dma_wait3A] : memref<10240x128xf32, #tpu.memory_space<hbm>> -> memref<640x128xf32, #tpu.memory_space<hbm>>
        %dma_wait3A_25 = arith.constant 0 : i32
        %dma_wait3A_26 = tpu.memref_slice %arg9[%mul3A_10, %dma_wait3A_25] : memref<10240x128xf32, #tpu.memory_space<vmem_shared>> -> memref<640x128xf32, #tpu.memory_space<vmem_shared>>
        tpu.wait_dma2 semaphore(%run_scoped3A : memref<!tpu.dma_semaphore, #tpu.memory_space<semaphore_mem>>) src(%dma_wait3A_26 : memref<640x128xf32, #tpu.memory_space<vmem_shared>>) dst(%dma_wait3A_24 : memref<640x128xf32, #tpu.memory_space<hbm>>)
        tpu.yield
      }) : () -> ()
    } else {
    }
    %eq3A_16 = arith.constant 1 : i32
    %eq3A_17 = arith.cmpi eq, %arg0, %eq3A_16 : i32
    %convert_element_type3A_18 = arith.extui %eq3A_17 : i1 to i32
    %cond3A_19 = arith.constant 0 : i32
    %cond3A_20 = arith.cmpi ne, %convert_element_type3A_18, %cond3A_19 : i32
    scf.if %cond3A_20 {
      "tpu.region"() ({
        %run_scoped3A = tpu.sem_alloc : memref<!tpu.dma_semaphore, #tpu.memory_space<semaphore_mem>>
        %dma_start3A = arith.constant 0 : i32
        %dma_start3A_21 = tpu.memref_slice %arg8[%mul3A_10, %dma_start3A] : memref<10240x128xf32, #tpu.memory_space<hbm>> -> memref<640x128xf32, #tpu.memory_space<hbm>>
        %dma_start3A_22 = arith.constant 0 : i32
        %dma_start3A_23 = tpu.memref_slice %arg9[%mul3A_10, %dma_start3A_22] : memref<10240x128xf32, #tpu.memory_space<vmem_shared>> -> memref<640x128xf32, #tpu.memory_space<vmem_shared>>
        tpu.enqueue_dma source(%dma_start3A_23 : memref<640x128xf32, #tpu.memory_space<vmem_shared>>) target(%dma_start3A_21 : memref<640x128xf32, #tpu.memory_space<hbm>>) target_semaphore(%run_scoped3A : memref<!tpu.dma_semaphore, #tpu.memory_space<semaphore_mem>>)
        %dma_wait3A = arith.constant 0 : i32
        %dma_wait3A_24 = tpu.memref_slice %arg8[%mul3A_10, %dma_wait3A] : memref<10240x128xf32, #tpu.memory_space<hbm>> -> memref<640x128xf32, #tpu.memory_space<hbm>>
        %dma_wait3A_25 = arith.constant 0 : i32
        %dma_wait3A_26 = tpu.memref_slice %arg9[%mul3A_10, %dma_wait3A_25] : memref<10240x128xf32, #tpu.memory_space<vmem_shared>> -> memref<640x128xf32, #tpu.memory_space<vmem_shared>>
        tpu.wait_dma2 semaphore(%run_scoped3A : memref<!tpu.dma_semaphore, #tpu.memory_space<semaphore_mem>>) src(%dma_wait3A_26 : memref<640x128xf32, #tpu.memory_space<vmem_shared>>) dst(%dma_wait3A_24 : memref<640x128xf32, #tpu.memory_space<hbm>>)
        tpu.yield
      }) : () -> ()
    } else {
    }
    return
  }
}

#map = affine_map<(d0, d1) -> (0, 0, 0)>
#map1 = affine_map<(d0, d1) -> (0, 0)>
module attributes {stable_mosaic.version = 14 : i64} {
  func.func @deg_kernel(%arg0: i32, %arg1: i32, %arg2: memref<16x250x80xi32, #tpu.memory_space<hbm>>, %arg3: memref<16x250x80xi32, #tpu.memory_space<hbm>>, %arg4: memref<80x8xf32, #tpu.memory_space<hbm>>, %arg5: memref<10240x8xf32, #tpu.memory_space<hbm>>, %arg6: memref<10240x8xf32, #tpu.memory_space<hbm>>, %arg7: memref<10240x8xf32, #tpu.memory_space<hbm>>, %arg8: memref<10240x8xf32, #tpu.memory_space<vmem_shared>>, %arg9: memref<250x80xi32, #tpu.memory_space<vmem>>, %arg10: memref<80x8xf32, #tpu.memory_space<vmem>>) attributes {dimension_semantics = [#tpu.dimension_semantics<core_parallel>, #tpu.dimension_semantics<subcore_parallel>], iteration_bounds = array<i64: 2, 16>, scalar_prefetch = 0 : i64, scratch_operands = 3 : i64, tpu.core_type = #tpu.core_type<sc_vector_subcore>, window_params = [{transform_indices = #map}, {transform_indices = #map}, {transform_indices = #map1}, {transform_indices = #map1}, {transform_indices = #map1}, {transform_indices = #map1}]} {
    %eq3A = arith.constant 0 : i32
    %eq3A_0 = arith.cmpi eq, %arg0, %eq3A : i32
    %convert_element_type3A = arith.extui %eq3A_0 : i1 to i32
    %cond3A = arith.constant 0 : i32
    %cond3A_1 = arith.cmpi ne, %convert_element_type3A, %cond3A : i32
    scf.if %cond3A_1 {
      "tpu.region"() ({
        %run_scoped3A = tpu.sem_alloc : memref<!tpu.dma_semaphore, #tpu.memory_space<semaphore_mem>>
        %dma_start3A = arith.constant 0 : i32
        %dma_start3A_24 = arith.constant 0 : i32
        %dma_start3A_25 = tpu.memref_slice %arg2[%arg1, %dma_start3A, %dma_start3A_24] : memref<16x250x80xi32, #tpu.memory_space<hbm>> -> memref<1x250x80xi32, #tpu.memory_space<hbm>>
        %dma_start3A_26 = tpu.memref_squeeze %dma_start3A_25 : memref<1x250x80xi32, #tpu.memory_space<hbm>> -> memref<250x80xi32, #tpu.memory_space<hbm>>
        %dma_start3A_27 = arith.constant 0 : i32
        %dma_start3A_28 = arith.constant 0 : i32
        %dma_start3A_29 = tpu.memref_slice %arg2[%arg1, %dma_start3A_27, %dma_start3A_28] : memref<16x250x80xi32, #tpu.memory_space<hbm>> -> memref<1x250x80xi32, #tpu.memory_space<hbm>>
        %dma_start3A_30 = tpu.memref_squeeze %dma_start3A_29 : memref<1x250x80xi32, #tpu.memory_space<hbm>> -> memref<250x80xi32, #tpu.memory_space<hbm>>
        tpu.enqueue_dma source(%dma_start3A_30 : memref<250x80xi32, #tpu.memory_space<hbm>>) target(%arg9 : memref<250x80xi32, #tpu.memory_space<vmem>>) target_semaphore(%run_scoped3A : memref<!tpu.dma_semaphore, #tpu.memory_space<semaphore_mem>>)
        %dma_wait3A = arith.constant 0 : i32
        %dma_wait3A_31 = arith.constant 0 : i32
        %dma_wait3A_32 = tpu.memref_slice %arg2[%arg1, %dma_wait3A, %dma_wait3A_31] : memref<16x250x80xi32, #tpu.memory_space<hbm>> -> memref<1x250x80xi32, #tpu.memory_space<hbm>>
        %dma_wait3A_33 = tpu.memref_squeeze %dma_wait3A_32 : memref<1x250x80xi32, #tpu.memory_space<hbm>> -> memref<250x80xi32, #tpu.memory_space<hbm>>
        %dma_wait3A_34 = arith.constant 0 : i32
        %dma_wait3A_35 = arith.constant 0 : i32
        %dma_wait3A_36 = tpu.memref_slice %arg2[%arg1, %dma_wait3A_34, %dma_wait3A_35] : memref<16x250x80xi32, #tpu.memory_space<hbm>> -> memref<1x250x80xi32, #tpu.memory_space<hbm>>
        %dma_wait3A_37 = tpu.memref_squeeze %dma_wait3A_36 : memref<1x250x80xi32, #tpu.memory_space<hbm>> -> memref<250x80xi32, #tpu.memory_space<hbm>>
        tpu.wait_dma2 semaphore(%run_scoped3A : memref<!tpu.dma_semaphore, #tpu.memory_space<semaphore_mem>>) src(%dma_wait3A_37 : memref<250x80xi32, #tpu.memory_space<hbm>>) dst(%arg9 : memref<250x80xi32, #tpu.memory_space<vmem>>)
        tpu.yield
      }) : () -> ()
    } else {
    }
    %eq3A_2 = arith.constant 1 : i32
    %eq3A_3 = arith.cmpi eq, %arg0, %eq3A_2 : i32
    %convert_element_type3A_4 = arith.extui %eq3A_3 : i1 to i32
    %cond3A_5 = arith.constant 0 : i32
    %cond3A_6 = arith.cmpi ne, %convert_element_type3A_4, %cond3A_5 : i32
    scf.if %cond3A_6 {
      "tpu.region"() ({
        %run_scoped3A = tpu.sem_alloc : memref<!tpu.dma_semaphore, #tpu.memory_space<semaphore_mem>>
        %dma_start3A = arith.constant 0 : i32
        %dma_start3A_24 = arith.constant 0 : i32
        %dma_start3A_25 = tpu.memref_slice %arg3[%arg1, %dma_start3A, %dma_start3A_24] : memref<16x250x80xi32, #tpu.memory_space<hbm>> -> memref<1x250x80xi32, #tpu.memory_space<hbm>>
        %dma_start3A_26 = tpu.memref_squeeze %dma_start3A_25 : memref<1x250x80xi32, #tpu.memory_space<hbm>> -> memref<250x80xi32, #tpu.memory_space<hbm>>
        %dma_start3A_27 = arith.constant 0 : i32
        %dma_start3A_28 = arith.constant 0 : i32
        %dma_start3A_29 = tpu.memref_slice %arg3[%arg1, %dma_start3A_27, %dma_start3A_28] : memref<16x250x80xi32, #tpu.memory_space<hbm>> -> memref<1x250x80xi32, #tpu.memory_space<hbm>>
        %dma_start3A_30 = tpu.memref_squeeze %dma_start3A_29 : memref<1x250x80xi32, #tpu.memory_space<hbm>> -> memref<250x80xi32, #tpu.memory_space<hbm>>
        tpu.enqueue_dma source(%dma_start3A_30 : memref<250x80xi32, #tpu.memory_space<hbm>>) target(%arg9 : memref<250x80xi32, #tpu.memory_space<vmem>>) target_semaphore(%run_scoped3A : memref<!tpu.dma_semaphore, #tpu.memory_space<semaphore_mem>>)
        %dma_wait3A = arith.constant 0 : i32
        %dma_wait3A_31 = arith.constant 0 : i32
        %dma_wait3A_32 = tpu.memref_slice %arg3[%arg1, %dma_wait3A, %dma_wait3A_31] : memref<16x250x80xi32, #tpu.memory_space<hbm>> -> memref<1x250x80xi32, #tpu.memory_space<hbm>>
        %dma_wait3A_33 = tpu.memref_squeeze %dma_wait3A_32 : memref<1x250x80xi32, #tpu.memory_space<hbm>> -> memref<250x80xi32, #tpu.memory_space<hbm>>
        %dma_wait3A_34 = arith.constant 0 : i32
        %dma_wait3A_35 = arith.constant 0 : i32
        %dma_wait3A_36 = tpu.memref_slice %arg3[%arg1, %dma_wait3A_34, %dma_wait3A_35] : memref<16x250x80xi32, #tpu.memory_space<hbm>> -> memref<1x250x80xi32, #tpu.memory_space<hbm>>
        %dma_wait3A_37 = tpu.memref_squeeze %dma_wait3A_36 : memref<1x250x80xi32, #tpu.memory_space<hbm>> -> memref<250x80xi32, #tpu.memory_space<hbm>>
        tpu.wait_dma2 semaphore(%run_scoped3A : memref<!tpu.dma_semaphore, #tpu.memory_space<semaphore_mem>>) src(%dma_wait3A_37 : memref<250x80xi32, #tpu.memory_space<hbm>>) dst(%arg9 : memref<250x80xi32, #tpu.memory_space<vmem>>)
        tpu.yield
      }) : () -> ()
    } else {
    }
    "tpu.region"() ({
      %run_scoped3A = tpu.sem_alloc : memref<!tpu.dma_semaphore, #tpu.memory_space<semaphore_mem>>
      tpu.enqueue_dma source(%arg4 : memref<80x8xf32, #tpu.memory_space<hbm>>) target(%arg10 : memref<80x8xf32, #tpu.memory_space<vmem>>) target_semaphore(%run_scoped3A : memref<!tpu.dma_semaphore, #tpu.memory_space<semaphore_mem>>)
      tpu.wait_dma2 semaphore(%run_scoped3A : memref<!tpu.dma_semaphore, #tpu.memory_space<semaphore_mem>>) src(%arg4 : memref<80x8xf32, #tpu.memory_space<hbm>>) dst(%arg10 : memref<80x8xf32, #tpu.memory_space<vmem>>)
      tpu.yield
    }) : () -> ()
    %mul3A = arith.constant 640 : i32
    %mul3A_7 = arith.muli %arg1, %mul3A : i32
    "tpu.region"() ({
      %run_scoped3A = tpu.sem_alloc : memref<!tpu.dma_semaphore, #tpu.memory_space<semaphore_mem>>
      %dma_start3A = arith.constant 0 : i32
      %dma_start3A_24 = tpu.memref_slice %arg8[%mul3A_7, %dma_start3A] : memref<10240x8xf32, #tpu.memory_space<vmem_shared>> -> memref<640x8xf32, #tpu.memory_space<vmem_shared>>
      %dma_start3A_25 = arith.constant 0 : i32
      %dma_start3A_26 = tpu.memref_slice %arg5[%mul3A_7, %dma_start3A_25] : memref<10240x8xf32, #tpu.memory_space<hbm>> -> memref<640x8xf32, #tpu.memory_space<hbm>>
      tpu.enqueue_dma source(%dma_start3A_26 : memref<640x8xf32, #tpu.memory_space<hbm>>) target(%dma_start3A_24 : memref<640x8xf32, #tpu.memory_space<vmem_shared>>) target_semaphore(%run_scoped3A : memref<!tpu.dma_semaphore, #tpu.memory_space<semaphore_mem>>)
      %dma_wait3A = arith.constant 0 : i32
      %dma_wait3A_27 = tpu.memref_slice %arg8[%mul3A_7, %dma_wait3A] : memref<10240x8xf32, #tpu.memory_space<vmem_shared>> -> memref<640x8xf32, #tpu.memory_space<vmem_shared>>
      %dma_wait3A_28 = arith.constant 0 : i32
      %dma_wait3A_29 = tpu.memref_slice %arg5[%mul3A_7, %dma_wait3A_28] : memref<10240x8xf32, #tpu.memory_space<hbm>> -> memref<640x8xf32, #tpu.memory_space<hbm>>
      tpu.wait_dma2 semaphore(%run_scoped3A : memref<!tpu.dma_semaphore, #tpu.memory_space<semaphore_mem>>) src(%dma_wait3A_29 : memref<640x8xf32, #tpu.memory_space<hbm>>) dst(%dma_wait3A_27 : memref<640x8xf32, #tpu.memory_space<vmem_shared>>)
      tpu.yield
    }) : () -> ()
    %barrier3A = arith.constant 0 : index
    tpu.barrier barrier_id(%barrier3A)
    %scan3A = arith.constant 0 : i32
    %scan3A_8 = arith.constant 0 : i32
    %scan3A_9 = arith.constant 250 : i32
    %scan3A_10 = arith.addi %scan3A_8, %scan3A_9 : i32
    %scan3A_11 = arith.constant 1 : i32
    scf.for %scan3A_24 = %scan3A_8 to %scan3A_10 step %scan3A_11  : i32 {
      "tpu.region"() ({
        %run_scoped3A = tpu.sem_alloc : memref<!tpu.dma_semaphore, #tpu.memory_space<semaphore_mem>>
        %dma_start3A = arith.constant 0 : i32
        %dma_start3A_25 = tpu.memref_slice %arg9[%scan3A_24, %dma_start3A] : memref<250x80xi32, #tpu.memory_space<vmem>> -> memref<1x80xi32, #tpu.memory_space<vmem>>
        %dma_start3A_26 = tpu.memref_squeeze %dma_start3A_25 : memref<1x80xi32, #tpu.memory_space<vmem>> -> memref<80xi32, #tpu.memory_space<vmem>>
        %dma_start3A_27 = arith.constant 0 : i32
        %dma_start3A_28 = arith.constant 0 : i32
        %dma_start3A_29 = tpu.memref_slice %arg8[%dma_start3A_27, %dma_start3A_28] : memref<10240x8xf32, #tpu.memory_space<vmem_shared>> -> memref<10240x8xf32, #tpu.memory_space<vmem_shared>>
        tpu.enqueue_indirect_dma source(%arg10 : memref<80x8xf32, #tpu.memory_space<vmem>>) target(%dma_start3A_29 : memref<10240x8xf32, #tpu.memory_space<vmem_shared>>) offsets(%dma_start3A_26 : memref<80xi32, #tpu.memory_space<vmem>>) semaphore(%run_scoped3A : memref<!tpu.dma_semaphore, #tpu.memory_space<semaphore_mem>>) {add = true}
        %dma_wait3A = arith.constant 0 : i32
        %dma_wait3A_30 = tpu.memref_slice %arg9[%scan3A_24, %dma_wait3A] : memref<250x80xi32, #tpu.memory_space<vmem>> -> memref<1x80xi32, #tpu.memory_space<vmem>>
        %dma_wait3A_31 = tpu.memref_squeeze %dma_wait3A_30 : memref<1x80xi32, #tpu.memory_space<vmem>> -> memref<80xi32, #tpu.memory_space<vmem>>
        %dma_wait3A_32 = arith.constant 0 : i32
        %dma_wait3A_33 = arith.constant 0 : i32
        %dma_wait3A_34 = tpu.memref_slice %arg8[%dma_wait3A_32, %dma_wait3A_33] : memref<10240x8xf32, #tpu.memory_space<vmem_shared>> -> memref<10240x8xf32, #tpu.memory_space<vmem_shared>>
        tpu.wait_indirect_dma semaphore(%run_scoped3A : memref<!tpu.dma_semaphore, #tpu.memory_space<semaphore_mem>>) src(%arg10 : memref<80x8xf32, #tpu.memory_space<vmem>>) dst(%dma_wait3A_34 : memref<10240x8xf32, #tpu.memory_space<vmem_shared>>)
        tpu.yield
      }) : () -> ()
    }
    %scan3A_12 = arith.constant 250 : i32
    %barrier3A_13 = arith.constant 0 : index
    tpu.barrier barrier_id(%barrier3A_13)
    %eq3A_14 = arith.constant 0 : i32
    %eq3A_15 = arith.cmpi eq, %arg0, %eq3A_14 : i32
    %convert_element_type3A_16 = arith.extui %eq3A_15 : i1 to i32
    %cond3A_17 = arith.constant 0 : i32
    %cond3A_18 = arith.cmpi ne, %convert_element_type3A_16, %cond3A_17 : i32
    scf.if %cond3A_18 {
      "tpu.region"() ({
        %run_scoped3A = tpu.sem_alloc : memref<!tpu.dma_semaphore, #tpu.memory_space<semaphore_mem>>
        %dma_start3A = arith.constant 0 : i32
        %dma_start3A_24 = tpu.memref_slice %arg6[%mul3A_7, %dma_start3A] : memref<10240x8xf32, #tpu.memory_space<hbm>> -> memref<640x8xf32, #tpu.memory_space<hbm>>
        %dma_start3A_25 = arith.constant 0 : i32
        %dma_start3A_26 = tpu.memref_slice %arg8[%mul3A_7, %dma_start3A_25] : memref<10240x8xf32, #tpu.memory_space<vmem_shared>> -> memref<640x8xf32, #tpu.memory_space<vmem_shared>>
        tpu.enqueue_dma source(%dma_start3A_26 : memref<640x8xf32, #tpu.memory_space<vmem_shared>>) target(%dma_start3A_24 : memref<640x8xf32, #tpu.memory_space<hbm>>) target_semaphore(%run_scoped3A : memref<!tpu.dma_semaphore, #tpu.memory_space<semaphore_mem>>)
        %dma_wait3A = arith.constant 0 : i32
        %dma_wait3A_27 = tpu.memref_slice %arg6[%mul3A_7, %dma_wait3A] : memref<10240x8xf32, #tpu.memory_space<hbm>> -> memref<640x8xf32, #tpu.memory_space<hbm>>
        %dma_wait3A_28 = arith.constant 0 : i32
        %dma_wait3A_29 = tpu.memref_slice %arg8[%mul3A_7, %dma_wait3A_28] : memref<10240x8xf32, #tpu.memory_space<vmem_shared>> -> memref<640x8xf32, #tpu.memory_space<vmem_shared>>
        tpu.wait_dma2 semaphore(%run_scoped3A : memref<!tpu.dma_semaphore, #tpu.memory_space<semaphore_mem>>) src(%dma_wait3A_29 : memref<640x8xf32, #tpu.memory_space<vmem_shared>>) dst(%dma_wait3A_27 : memref<640x8xf32, #tpu.memory_space<hbm>>)
        tpu.yield
      }) : () -> ()
    } else {
    }
    %eq3A_19 = arith.constant 1 : i32
    %eq3A_20 = arith.cmpi eq, %arg0, %eq3A_19 : i32
    %convert_element_type3A_21 = arith.extui %eq3A_20 : i1 to i32
    %cond3A_22 = arith.constant 0 : i32
    %cond3A_23 = arith.cmpi ne, %convert_element_type3A_21, %cond3A_22 : i32
    scf.if %cond3A_23 {
      "tpu.region"() ({
        %run_scoped3A = tpu.sem_alloc : memref<!tpu.dma_semaphore, #tpu.memory_space<semaphore_mem>>
        %dma_start3A = arith.constant 0 : i32
        %dma_start3A_24 = tpu.memref_slice %arg7[%mul3A_7, %dma_start3A] : memref<10240x8xf32, #tpu.memory_space<hbm>> -> memref<640x8xf32, #tpu.memory_space<hbm>>
        %dma_start3A_25 = arith.constant 0 : i32
        %dma_start3A_26 = tpu.memref_slice %arg8[%mul3A_7, %dma_start3A_25] : memref<10240x8xf32, #tpu.memory_space<vmem_shared>> -> memref<640x8xf32, #tpu.memory_space<vmem_shared>>
        tpu.enqueue_dma source(%dma_start3A_26 : memref<640x8xf32, #tpu.memory_space<vmem_shared>>) target(%dma_start3A_24 : memref<640x8xf32, #tpu.memory_space<hbm>>) target_semaphore(%run_scoped3A : memref<!tpu.dma_semaphore, #tpu.memory_space<semaphore_mem>>)
        %dma_wait3A = arith.constant 0 : i32
        %dma_wait3A_27 = tpu.memref_slice %arg7[%mul3A_7, %dma_wait3A] : memref<10240x8xf32, #tpu.memory_space<hbm>> -> memref<640x8xf32, #tpu.memory_space<hbm>>
        %dma_wait3A_28 = arith.constant 0 : i32
        %dma_wait3A_29 = tpu.memref_slice %arg8[%mul3A_7, %dma_wait3A_28] : memref<10240x8xf32, #tpu.memory_space<vmem_shared>> -> memref<640x8xf32, #tpu.memory_space<vmem_shared>>
        tpu.wait_dma2 semaphore(%run_scoped3A : memref<!tpu.dma_semaphore, #tpu.memory_space<semaphore_mem>>) src(%dma_wait3A_29 : memref<640x8xf32, #tpu.memory_space<vmem_shared>>) dst(%dma_wait3A_27 : memref<640x8xf32, #tpu.memory_space<hbm>>)
        tpu.yield
      }) : () -> ()
    } else {
    }
    return
  }
}

#map = affine_map<(d0, d1) -> (0, 0)>
#map1 = affine_map<(d0, d1) -> (0, 0, 0, 0)>
module attributes {stable_mosaic.version = 14 : i64} {
  func.func @agg_kernel(%arg0: i32, %arg1: i32, %arg2: memref<10000x64xf32, #tpu.memory_space<hbm>>, %arg3: memref<10000x64xf32, #tpu.memory_space<hbm>>, %arg4: memref<16x5x40x100xi32, #tpu.memory_space<hbm>>, %arg5: memref<16x5x40x100xi32, #tpu.memory_space<hbm>>, %arg6: memref<10240x64xf32, #tpu.memory_space<hbm>>, %arg7: memref<10240x64xf32, #tpu.memory_space<hbm>>, %arg8: memref<10240x64xf32, #tpu.memory_space<hbm>>, %arg9: memref<10240x64xf32, #tpu.memory_space<vmem_shared>>, %arg10: memref<40x100xi32, #tpu.memory_space<vmem>>, %arg11: memref<40x100xi32, #tpu.memory_space<vmem>>, %arg12: memref<100x64xf32, #tpu.memory_space<vmem>>, %arg13: memref<100x64xf32, #tpu.memory_space<vmem>>, %arg14: memref<!tpu.dma_semaphore, #tpu.memory_space<semaphore_mem>>, %arg15: memref<!tpu.dma_semaphore, #tpu.memory_space<semaphore_mem>>, %arg16: memref<!tpu.dma_semaphore, #tpu.memory_space<semaphore_mem>>, %arg17: memref<!tpu.dma_semaphore, #tpu.memory_space<semaphore_mem>>) attributes {dimension_semantics = [#tpu.dimension_semantics<core_parallel>, #tpu.dimension_semantics<subcore_parallel>], iteration_bounds = array<i64: 2, 16>, scalar_prefetch = 0 : i64, scratch_operands = 9 : i64, tpu.core_type = #tpu.core_type<sc_vector_subcore>, window_params = [{transform_indices = #map}, {transform_indices = #map}, {transform_indices = #map1}, {transform_indices = #map1}, {transform_indices = #map}, {transform_indices = #map}, {transform_indices = #map}]} {
    %mul3A = arith.constant 640 : i32
    %mul3A_0 = arith.muli %arg1, %mul3A : i32
    "tpu.region"() ({
      %run_scoped3A = tpu.sem_alloc : memref<!tpu.dma_semaphore, #tpu.memory_space<semaphore_mem>>
      %dma_start3A = arith.constant 0 : i32
      %dma_start3A_21 = tpu.memref_slice %arg9[%mul3A_0, %dma_start3A] : memref<10240x64xf32, #tpu.memory_space<vmem_shared>> -> memref<640x64xf32, #tpu.memory_space<vmem_shared>>
      %dma_start3A_22 = arith.constant 0 : i32
      %dma_start3A_23 = tpu.memref_slice %arg6[%mul3A_0, %dma_start3A_22] : memref<10240x64xf32, #tpu.memory_space<hbm>> -> memref<640x64xf32, #tpu.memory_space<hbm>>
      tpu.enqueue_dma source(%dma_start3A_23 : memref<640x64xf32, #tpu.memory_space<hbm>>) target(%dma_start3A_21 : memref<640x64xf32, #tpu.memory_space<vmem_shared>>) target_semaphore(%run_scoped3A : memref<!tpu.dma_semaphore, #tpu.memory_space<semaphore_mem>>)
      %dma_wait3A = arith.constant 0 : i32
      %dma_wait3A_24 = tpu.memref_slice %arg9[%mul3A_0, %dma_wait3A] : memref<10240x64xf32, #tpu.memory_space<vmem_shared>> -> memref<640x64xf32, #tpu.memory_space<vmem_shared>>
      %dma_wait3A_25 = arith.constant 0 : i32
      %dma_wait3A_26 = tpu.memref_slice %arg6[%mul3A_0, %dma_wait3A_25] : memref<10240x64xf32, #tpu.memory_space<hbm>> -> memref<640x64xf32, #tpu.memory_space<hbm>>
      tpu.wait_dma2 semaphore(%run_scoped3A : memref<!tpu.dma_semaphore, #tpu.memory_space<semaphore_mem>>) src(%dma_wait3A_26 : memref<640x64xf32, #tpu.memory_space<hbm>>) dst(%dma_wait3A_24 : memref<640x64xf32, #tpu.memory_space<vmem_shared>>)
      tpu.yield
    }) : () -> ()
    %barrier3A = arith.constant 0 : index
    tpu.barrier barrier_id(%barrier3A)
    %eq3A = arith.constant 0 : i32
    %eq3A_1 = arith.cmpi eq, %arg0, %eq3A : i32
    %convert_element_type3A = arith.extui %eq3A_1 : i1 to i32
    %cond3A = arith.constant 0 : i32
    %cond3A_2 = arith.cmpi ne, %convert_element_type3A, %cond3A : i32
    scf.if %cond3A_2 {
      %scan3A = arith.constant 0 : i32
      %scan3A_21 = arith.constant 0 : i32
      %scan3A_22 = arith.constant 5 : i32
      %scan3A_23 = arith.addi %scan3A_21, %scan3A_22 : i32
      %scan3A_24 = arith.constant 1 : i32
      scf.for %scan3A_26 = %scan3A_21 to %scan3A_23 step %scan3A_24  : i32 {
        "tpu.region"() ({
          %run_scoped3A = tpu.sem_alloc : memref<!tpu.dma_semaphore, #tpu.memory_space<semaphore_mem>>
          %dma_start3A_45 = arith.constant 0 : i32
          %dma_start3A_46 = arith.constant 0 : i32
          %dma_start3A_47 = tpu.memref_slice %arg4[%arg1, %scan3A_26, %dma_start3A_45, %dma_start3A_46] : memref<16x5x40x100xi32, #tpu.memory_space<hbm>> -> memref<1x1x40x100xi32, #tpu.memory_space<hbm>>
          %dma_start3A_48 = tpu.memref_squeeze %dma_start3A_47 : memref<1x1x40x100xi32, #tpu.memory_space<hbm>> -> memref<40x100xi32, #tpu.memory_space<hbm>>
          %dma_start3A_49 = arith.constant 0 : i32
          %dma_start3A_50 = arith.constant 0 : i32
          %dma_start3A_51 = tpu.memref_slice %arg4[%arg1, %scan3A_26, %dma_start3A_49, %dma_start3A_50] : memref<16x5x40x100xi32, #tpu.memory_space<hbm>> -> memref<1x1x40x100xi32, #tpu.memory_space<hbm>>
          %dma_start3A_52 = tpu.memref_squeeze %dma_start3A_51 : memref<1x1x40x100xi32, #tpu.memory_space<hbm>> -> memref<40x100xi32, #tpu.memory_space<hbm>>
          tpu.enqueue_dma source(%dma_start3A_52 : memref<40x100xi32, #tpu.memory_space<hbm>>) target(%arg10 : memref<40x100xi32, #tpu.memory_space<vmem>>) target_semaphore(%run_scoped3A : memref<!tpu.dma_semaphore, #tpu.memory_space<semaphore_mem>>)
          %dma_wait3A_53 = arith.constant 0 : i32
          %dma_wait3A_54 = arith.constant 0 : i32
          %dma_wait3A_55 = tpu.memref_slice %arg4[%arg1, %scan3A_26, %dma_wait3A_53, %dma_wait3A_54] : memref<16x5x40x100xi32, #tpu.memory_space<hbm>> -> memref<1x1x40x100xi32, #tpu.memory_space<hbm>>
          %dma_wait3A_56 = tpu.memref_squeeze %dma_wait3A_55 : memref<1x1x40x100xi32, #tpu.memory_space<hbm>> -> memref<40x100xi32, #tpu.memory_space<hbm>>
          %dma_wait3A_57 = arith.constant 0 : i32
          %dma_wait3A_58 = arith.constant 0 : i32
          %dma_wait3A_59 = tpu.memref_slice %arg4[%arg1, %scan3A_26, %dma_wait3A_57, %dma_wait3A_58] : memref<16x5x40x100xi32, #tpu.memory_space<hbm>> -> memref<1x1x40x100xi32, #tpu.memory_space<hbm>>
          %dma_wait3A_60 = tpu.memref_squeeze %dma_wait3A_59 : memref<1x1x40x100xi32, #tpu.memory_space<hbm>> -> memref<40x100xi32, #tpu.memory_space<hbm>>
          tpu.wait_dma2 semaphore(%run_scoped3A : memref<!tpu.dma_semaphore, #tpu.memory_space<semaphore_mem>>) src(%dma_wait3A_60 : memref<40x100xi32, #tpu.memory_space<hbm>>) dst(%arg10 : memref<40x100xi32, #tpu.memory_space<vmem>>)
          tpu.yield
        }) : () -> ()
        "tpu.region"() ({
          %run_scoped3A = tpu.sem_alloc : memref<!tpu.dma_semaphore, #tpu.memory_space<semaphore_mem>>
          %dma_start3A_45 = arith.constant 0 : i32
          %dma_start3A_46 = arith.constant 0 : i32
          %dma_start3A_47 = tpu.memref_slice %arg5[%arg1, %scan3A_26, %dma_start3A_45, %dma_start3A_46] : memref<16x5x40x100xi32, #tpu.memory_space<hbm>> -> memref<1x1x40x100xi32, #tpu.memory_space<hbm>>
          %dma_start3A_48 = tpu.memref_squeeze %dma_start3A_47 : memref<1x1x40x100xi32, #tpu.memory_space<hbm>> -> memref<40x100xi32, #tpu.memory_space<hbm>>
          %dma_start3A_49 = arith.constant 0 : i32
          %dma_start3A_50 = arith.constant 0 : i32
          %dma_start3A_51 = tpu.memref_slice %arg5[%arg1, %scan3A_26, %dma_start3A_49, %dma_start3A_50] : memref<16x5x40x100xi32, #tpu.memory_space<hbm>> -> memref<1x1x40x100xi32, #tpu.memory_space<hbm>>
          %dma_start3A_52 = tpu.memref_squeeze %dma_start3A_51 : memref<1x1x40x100xi32, #tpu.memory_space<hbm>> -> memref<40x100xi32, #tpu.memory_space<hbm>>
          tpu.enqueue_dma source(%dma_start3A_52 : memref<40x100xi32, #tpu.memory_space<hbm>>) target(%arg11 : memref<40x100xi32, #tpu.memory_space<vmem>>) target_semaphore(%run_scoped3A : memref<!tpu.dma_semaphore, #tpu.memory_space<semaphore_mem>>)
          %dma_wait3A_53 = arith.constant 0 : i32
          %dma_wait3A_54 = arith.constant 0 : i32
          %dma_wait3A_55 = tpu.memref_slice %arg5[%arg1, %scan3A_26, %dma_wait3A_53, %dma_wait3A_54] : memref<16x5x40x100xi32, #tpu.memory_space<hbm>> -> memref<1x1x40x100xi32, #tpu.memory_space<hbm>>
          %dma_wait3A_56 = tpu.memref_squeeze %dma_wait3A_55 : memref<1x1x40x100xi32, #tpu.memory_space<hbm>> -> memref<40x100xi32, #tpu.memory_space<hbm>>
          %dma_wait3A_57 = arith.constant 0 : i32
          %dma_wait3A_58 = arith.constant 0 : i32
          %dma_wait3A_59 = tpu.memref_slice %arg5[%arg1, %scan3A_26, %dma_wait3A_57, %dma_wait3A_58] : memref<16x5x40x100xi32, #tpu.memory_space<hbm>> -> memref<1x1x40x100xi32, #tpu.memory_space<hbm>>
          %dma_wait3A_60 = tpu.memref_squeeze %dma_wait3A_59 : memref<1x1x40x100xi32, #tpu.memory_space<hbm>> -> memref<40x100xi32, #tpu.memory_space<hbm>>
          tpu.wait_dma2 semaphore(%run_scoped3A : memref<!tpu.dma_semaphore, #tpu.memory_space<semaphore_mem>>) src(%dma_wait3A_60 : memref<40x100xi32, #tpu.memory_space<hbm>>) dst(%arg11 : memref<40x100xi32, #tpu.memory_space<vmem>>)
          tpu.yield
        }) : () -> ()
        %dma_start3A = arith.constant 0 : i32
        %dma_start3A_27 = arith.constant 0 : i32
        %dma_start3A_28 = tpu.memref_slice %arg10[%dma_start3A, %dma_start3A_27] : memref<40x100xi32, #tpu.memory_space<vmem>> -> memref<1x100xi32, #tpu.memory_space<vmem>>
        %dma_start3A_29 = tpu.memref_squeeze %dma_start3A_28 : memref<1x100xi32, #tpu.memory_space<vmem>> -> memref<100xi32, #tpu.memory_space<vmem>>
        %dma_start3A_30 = arith.constant 0 : i32
        %dma_start3A_31 = arith.constant 0 : i32
        %dma_start3A_32 = tpu.memref_slice %arg2[%dma_start3A_30, %dma_start3A_31] : memref<10000x64xf32, #tpu.memory_space<hbm>> -> memref<10000x64xf32, #tpu.memory_space<hbm>>
        tpu.enqueue_indirect_dma source(%dma_start3A_32 : memref<10000x64xf32, #tpu.memory_space<hbm>>) target(%arg12 : memref<100x64xf32, #tpu.memory_space<vmem>>) offsets(%dma_start3A_29 : memref<100xi32, #tpu.memory_space<vmem>>) semaphore(%arg14 : memref<!tpu.dma_semaphore, #tpu.memory_space<semaphore_mem>>)
        %scan3A_33 = arith.constant 0 : i32
        %scan3A_34 = arith.constant 0 : i32
        %scan3A_35 = arith.constant 20 : i32
        %scan3A_36 = arith.addi %scan3A_34, %scan3A_35 : i32
        %scan3A_37 = arith.constant 1 : i32
        scf.for %scan3A_45 = %scan3A_34 to %scan3A_36 step %scan3A_37  : i32 {
          %mul3A_46 = arith.constant 2 : i32
          %mul3A_47 = arith.muli %mul3A_46, %scan3A_45 : i32
          %dma_wait3A_48 = arith.constant 0 : i32
          %dma_wait3A_49 = arith.constant 0 : i32
          %dma_wait3A_50 = tpu.memref_slice %arg10[%dma_wait3A_48, %dma_wait3A_49] : memref<40x100xi32, #tpu.memory_space<vmem>> -> memref<1x100xi32, #tpu.memory_space<vmem>>
          %dma_wait3A_51 = tpu.memref_squeeze %dma_wait3A_50 : memref<1x100xi32, #tpu.memory_space<vmem>> -> memref<100xi32, #tpu.memory_space<vmem>>
          %dma_wait3A_52 = arith.constant 0 : i32
          %dma_wait3A_53 = arith.constant 0 : i32
          %dma_wait3A_54 = tpu.memref_slice %arg2[%dma_wait3A_52, %dma_wait3A_53] : memref<10000x64xf32, #tpu.memory_space<hbm>> -> memref<10000x64xf32, #tpu.memory_space<hbm>>
          tpu.wait_indirect_dma semaphore(%arg14 : memref<!tpu.dma_semaphore, #tpu.memory_space<semaphore_mem>>) src(%dma_wait3A_54 : memref<10000x64xf32, #tpu.memory_space<hbm>>) dst(%arg12 : memref<100x64xf32, #tpu.memory_space<vmem>>)
          %gt3A = arith.constant 0 : i32
          %gt3A_55 = arith.cmpi sgt, %scan3A_45, %gt3A : i32
          %convert_element_type3A_56 = arith.extui %gt3A_55 : i1 to i32
          %cond3A_57 = arith.constant 0 : i32
          %cond3A_58 = arith.cmpi ne, %convert_element_type3A_56, %cond3A_57 : i32
          scf.if %cond3A_58 {
            %dma_wait3A_98 = arith.constant 0 : i32
            %dma_wait3A_99 = arith.constant 0 : i32
            %dma_wait3A_100 = tpu.memref_slice %arg11[%dma_wait3A_98, %dma_wait3A_99] : memref<40x100xi32, #tpu.memory_space<vmem>> -> memref<1x100xi32, #tpu.memory_space<vmem>>
            %dma_wait3A_101 = tpu.memref_squeeze %dma_wait3A_100 : memref<1x100xi32, #tpu.memory_space<vmem>> -> memref<100xi32, #tpu.memory_space<vmem>>
            %dma_wait3A_102 = arith.constant 0 : i32
            %dma_wait3A_103 = arith.constant 0 : i32
            %dma_wait3A_104 = tpu.memref_slice %arg9[%dma_wait3A_102, %dma_wait3A_103] : memref<10240x64xf32, #tpu.memory_space<vmem_shared>> -> memref<10240x64xf32, #tpu.memory_space<vmem_shared>>
            tpu.wait_indirect_dma semaphore(%arg17 : memref<!tpu.dma_semaphore, #tpu.memory_space<semaphore_mem>>) src(%arg13 : memref<100x64xf32, #tpu.memory_space<vmem>>) dst(%dma_wait3A_104 : memref<10240x64xf32, #tpu.memory_space<vmem_shared>>)
          } else {
          }
          %add3A = arith.constant 1 : i32
          %add3A_59 = arith.addi %mul3A_47, %add3A : i32
          %dma_start3A_60 = arith.constant 0 : i32
          %dma_start3A_61 = tpu.memref_slice %arg10[%add3A_59, %dma_start3A_60] : memref<40x100xi32, #tpu.memory_space<vmem>> -> memref<1x100xi32, #tpu.memory_space<vmem>>
          %dma_start3A_62 = tpu.memref_squeeze %dma_start3A_61 : memref<1x100xi32, #tpu.memory_space<vmem>> -> memref<100xi32, #tpu.memory_space<vmem>>
          %dma_start3A_63 = arith.constant 0 : i32
          %dma_start3A_64 = arith.constant 0 : i32
          %dma_start3A_65 = tpu.memref_slice %arg2[%dma_start3A_63, %dma_start3A_64] : memref<10000x64xf32, #tpu.memory_space<hbm>> -> memref<10000x64xf32, #tpu.memory_space<hbm>>
          tpu.enqueue_indirect_dma source(%dma_start3A_65 : memref<10000x64xf32, #tpu.memory_space<hbm>>) target(%arg13 : memref<100x64xf32, #tpu.memory_space<vmem>>) offsets(%dma_start3A_62 : memref<100xi32, #tpu.memory_space<vmem>>) semaphore(%arg15 : memref<!tpu.dma_semaphore, #tpu.memory_space<semaphore_mem>>)
          %dma_start3A_66 = arith.constant 0 : i32
          %dma_start3A_67 = tpu.memref_slice %arg11[%mul3A_47, %dma_start3A_66] : memref<40x100xi32, #tpu.memory_space<vmem>> -> memref<1x100xi32, #tpu.memory_space<vmem>>
          %dma_start3A_68 = tpu.memref_squeeze %dma_start3A_67 : memref<1x100xi32, #tpu.memory_space<vmem>> -> memref<100xi32, #tpu.memory_space<vmem>>
          %dma_start3A_69 = arith.constant 0 : i32
          %dma_start3A_70 = arith.constant 0 : i32
          %dma_start3A_71 = tpu.memref_slice %arg9[%dma_start3A_69, %dma_start3A_70] : memref<10240x64xf32, #tpu.memory_space<vmem_shared>> -> memref<10240x64xf32, #tpu.memory_space<vmem_shared>>
          tpu.enqueue_indirect_dma source(%arg12 : memref<100x64xf32, #tpu.memory_space<vmem>>) target(%dma_start3A_71 : memref<10240x64xf32, #tpu.memory_space<vmem_shared>>) offsets(%dma_start3A_68 : memref<100xi32, #tpu.memory_space<vmem>>) semaphore(%arg16 : memref<!tpu.dma_semaphore, #tpu.memory_space<semaphore_mem>>) {add = true}
          %dma_wait3A_72 = arith.constant 0 : i32
          %dma_wait3A_73 = arith.constant 0 : i32
          %dma_wait3A_74 = tpu.memref_slice %arg10[%dma_wait3A_72, %dma_wait3A_73] : memref<40x100xi32, #tpu.memory_space<vmem>> -> memref<1x100xi32, #tpu.memory_space<vmem>>
          %dma_wait3A_75 = tpu.memref_squeeze %dma_wait3A_74 : memref<1x100xi32, #tpu.memory_space<vmem>> -> memref<100xi32, #tpu.memory_space<vmem>>
          %dma_wait3A_76 = arith.constant 0 : i32
          %dma_wait3A_77 = arith.constant 0 : i32
          %dma_wait3A_78 = tpu.memref_slice %arg2[%dma_wait3A_76, %dma_wait3A_77] : memref<10000x64xf32, #tpu.memory_space<hbm>> -> memref<10000x64xf32, #tpu.memory_space<hbm>>
          tpu.wait_indirect_dma semaphore(%arg15 : memref<!tpu.dma_semaphore, #tpu.memory_space<semaphore_mem>>) src(%dma_wait3A_78 : memref<10000x64xf32, #tpu.memory_space<hbm>>) dst(%arg13 : memref<100x64xf32, #tpu.memory_space<vmem>>)
          %dma_wait3A_79 = arith.constant 0 : i32
          %dma_wait3A_80 = arith.constant 0 : i32
          %dma_wait3A_81 = tpu.memref_slice %arg11[%dma_wait3A_79, %dma_wait3A_80] : memref<40x100xi32, #tpu.memory_space<vmem>> -> memref<1x100xi32, #tpu.memory_space<vmem>>
          %dma_wait3A_82 = tpu.memref_squeeze %dma_wait3A_81 : memref<1x100xi32, #tpu.memory_space<vmem>> -> memref<100xi32, #tpu.memory_space<vmem>>
          %dma_wait3A_83 = arith.constant 0 : i32
          %dma_wait3A_84 = arith.constant 0 : i32
          %dma_wait3A_85 = tpu.memref_slice %arg9[%dma_wait3A_83, %dma_wait3A_84] : memref<10240x64xf32, #tpu.memory_space<vmem_shared>> -> memref<10240x64xf32, #tpu.memory_space<vmem_shared>>
          tpu.wait_indirect_dma semaphore(%arg16 : memref<!tpu.dma_semaphore, #tpu.memory_space<semaphore_mem>>) src(%arg12 : memref<100x64xf32, #tpu.memory_space<vmem>>) dst(%dma_wait3A_85 : memref<10240x64xf32, #tpu.memory_space<vmem_shared>>)
          %lt3A = arith.constant 19 : i32
          %lt3A_86 = arith.cmpi slt, %scan3A_45, %lt3A : i32
          %convert_element_type3A_87 = arith.extui %lt3A_86 : i1 to i32
          %cond3A_88 = arith.constant 0 : i32
          %cond3A_89 = arith.cmpi ne, %convert_element_type3A_87, %cond3A_88 : i32
          scf.if %cond3A_89 {
            %add3A_98 = arith.constant 2 : i32
            %add3A_99 = arith.addi %mul3A_47, %add3A_98 : i32
            %dma_start3A_100 = arith.constant 0 : i32
            %dma_start3A_101 = tpu.memref_slice %arg10[%add3A_99, %dma_start3A_100] : memref<40x100xi32, #tpu.memory_space<vmem>> -> memref<1x100xi32, #tpu.memory_space<vmem>>
            %dma_start3A_102 = tpu.memref_squeeze %dma_start3A_101 : memref<1x100xi32, #tpu.memory_space<vmem>> -> memref<100xi32, #tpu.memory_space<vmem>>
            %dma_start3A_103 = arith.constant 0 : i32
            %dma_start3A_104 = arith.constant 0 : i32
            %dma_start3A_105 = tpu.memref_slice %arg2[%dma_start3A_103, %dma_start3A_104] : memref<10000x64xf32, #tpu.memory_space<hbm>> -> memref<10000x64xf32, #tpu.memory_space<hbm>>
            tpu.enqueue_indirect_dma source(%dma_start3A_105 : memref<10000x64xf32, #tpu.memory_space<hbm>>) target(%arg12 : memref<100x64xf32, #tpu.memory_space<vmem>>) offsets(%dma_start3A_102 : memref<100xi32, #tpu.memory_space<vmem>>) semaphore(%arg14 : memref<!tpu.dma_semaphore, #tpu.memory_space<semaphore_mem>>)
          } else {
          }
          %add3A_90 = arith.constant 1 : i32
          %add3A_91 = arith.addi %mul3A_47, %add3A_90 : i32
          %dma_start3A_92 = arith.constant 0 : i32
          %dma_start3A_93 = tpu.memref_slice %arg11[%add3A_91, %dma_start3A_92] : memref<40x100xi32, #tpu.memory_space<vmem>> -> memref<1x100xi32, #tpu.memory_space<vmem>>
          %dma_start3A_94 = tpu.memref_squeeze %dma_start3A_93 : memref<1x100xi32, #tpu.memory_space<vmem>> -> memref<100xi32, #tpu.memory_space<vmem>>
          %dma_start3A_95 = arith.constant 0 : i32
          %dma_start3A_96 = arith.constant 0 : i32
          %dma_start3A_97 = tpu.memref_slice %arg9[%dma_start3A_95, %dma_start3A_96] : memref<10240x64xf32, #tpu.memory_space<vmem_shared>> -> memref<10240x64xf32, #tpu.memory_space<vmem_shared>>
          tpu.enqueue_indirect_dma source(%arg13 : memref<100x64xf32, #tpu.memory_space<vmem>>) target(%dma_start3A_97 : memref<10240x64xf32, #tpu.memory_space<vmem_shared>>) offsets(%dma_start3A_94 : memref<100xi32, #tpu.memory_space<vmem>>) semaphore(%arg17 : memref<!tpu.dma_semaphore, #tpu.memory_space<semaphore_mem>>) {add = true}
        }
        %scan3A_38 = arith.constant 20 : i32
        %dma_wait3A = arith.constant 0 : i32
        %dma_wait3A_39 = arith.constant 0 : i32
        %dma_wait3A_40 = tpu.memref_slice %arg11[%dma_wait3A, %dma_wait3A_39] : memref<40x100xi32, #tpu.memory_space<vmem>> -> memref<1x100xi32, #tpu.memory_space<vmem>>
        %dma_wait3A_41 = tpu.memref_squeeze %dma_wait3A_40 : memref<1x100xi32, #tpu.memory_space<vmem>> -> memref<100xi32, #tpu.memory_space<vmem>>
        %dma_wait3A_42 = arith.constant 0 : i32
        %dma_wait3A_43 = arith.constant 0 : i32
        %dma_wait3A_44 = tpu.memref_slice %arg9[%dma_wait3A_42, %dma_wait3A_43] : memref<10240x64xf32, #tpu.memory_space<vmem_shared>> -> memref<10240x64xf32, #tpu.memory_space<vmem_shared>>
        tpu.wait_indirect_dma semaphore(%arg17 : memref<!tpu.dma_semaphore, #tpu.memory_space<semaphore_mem>>) src(%arg13 : memref<100x64xf32, #tpu.memory_space<vmem>>) dst(%dma_wait3A_44 : memref<10240x64xf32, #tpu.memory_space<vmem_shared>>)
      }
      %scan3A_25 = arith.constant 5 : i32
    } else {
    }
    %eq3A_3 = arith.constant 1 : i32
    %eq3A_4 = arith.cmpi eq, %arg0, %eq3A_3 : i32
    %convert_element_type3A_5 = arith.extui %eq3A_4 : i1 to i32
    %cond3A_6 = arith.constant 0 : i32
    %cond3A_7 = arith.cmpi ne, %convert_element_type3A_5, %cond3A_6 : i32
    scf.if %cond3A_7 {
      %scan3A = arith.constant 0 : i32
      %scan3A_21 = arith.constant 0 : i32
      %scan3A_22 = arith.constant 5 : i32
      %scan3A_23 = arith.addi %scan3A_21, %scan3A_22 : i32
      %scan3A_24 = arith.constant 1 : i32
      scf.for %scan3A_26 = %scan3A_21 to %scan3A_23 step %scan3A_24  : i32 {
        "tpu.region"() ({
          %run_scoped3A = tpu.sem_alloc : memref<!tpu.dma_semaphore, #tpu.memory_space<semaphore_mem>>
          %dma_start3A_45 = arith.constant 0 : i32
          %dma_start3A_46 = arith.constant 0 : i32
          %dma_start3A_47 = tpu.memref_slice %arg4[%arg1, %scan3A_26, %dma_start3A_45, %dma_start3A_46] : memref<16x5x40x100xi32, #tpu.memory_space<hbm>> -> memref<1x1x40x100xi32, #tpu.memory_space<hbm>>
          %dma_start3A_48 = tpu.memref_squeeze %dma_start3A_47 : memref<1x1x40x100xi32, #tpu.memory_space<hbm>> -> memref<40x100xi32, #tpu.memory_space<hbm>>
          %dma_start3A_49 = arith.constant 0 : i32
          %dma_start3A_50 = arith.constant 0 : i32
          %dma_start3A_51 = tpu.memref_slice %arg4[%arg1, %scan3A_26, %dma_start3A_49, %dma_start3A_50] : memref<16x5x40x100xi32, #tpu.memory_space<hbm>> -> memref<1x1x40x100xi32, #tpu.memory_space<hbm>>
          %dma_start3A_52 = tpu.memref_squeeze %dma_start3A_51 : memref<1x1x40x100xi32, #tpu.memory_space<hbm>> -> memref<40x100xi32, #tpu.memory_space<hbm>>
          tpu.enqueue_dma source(%dma_start3A_52 : memref<40x100xi32, #tpu.memory_space<hbm>>) target(%arg10 : memref<40x100xi32, #tpu.memory_space<vmem>>) target_semaphore(%run_scoped3A : memref<!tpu.dma_semaphore, #tpu.memory_space<semaphore_mem>>)
          %dma_wait3A_53 = arith.constant 0 : i32
          %dma_wait3A_54 = arith.constant 0 : i32
          %dma_wait3A_55 = tpu.memref_slice %arg4[%arg1, %scan3A_26, %dma_wait3A_53, %dma_wait3A_54] : memref<16x5x40x100xi32, #tpu.memory_space<hbm>> -> memref<1x1x40x100xi32, #tpu.memory_space<hbm>>
          %dma_wait3A_56 = tpu.memref_squeeze %dma_wait3A_55 : memref<1x1x40x100xi32, #tpu.memory_space<hbm>> -> memref<40x100xi32, #tpu.memory_space<hbm>>
          %dma_wait3A_57 = arith.constant 0 : i32
          %dma_wait3A_58 = arith.constant 0 : i32
          %dma_wait3A_59 = tpu.memref_slice %arg4[%arg1, %scan3A_26, %dma_wait3A_57, %dma_wait3A_58] : memref<16x5x40x100xi32, #tpu.memory_space<hbm>> -> memref<1x1x40x100xi32, #tpu.memory_space<hbm>>
          %dma_wait3A_60 = tpu.memref_squeeze %dma_wait3A_59 : memref<1x1x40x100xi32, #tpu.memory_space<hbm>> -> memref<40x100xi32, #tpu.memory_space<hbm>>
          tpu.wait_dma2 semaphore(%run_scoped3A : memref<!tpu.dma_semaphore, #tpu.memory_space<semaphore_mem>>) src(%dma_wait3A_60 : memref<40x100xi32, #tpu.memory_space<hbm>>) dst(%arg10 : memref<40x100xi32, #tpu.memory_space<vmem>>)
          tpu.yield
        }) : () -> ()
        "tpu.region"() ({
          %run_scoped3A = tpu.sem_alloc : memref<!tpu.dma_semaphore, #tpu.memory_space<semaphore_mem>>
          %dma_start3A_45 = arith.constant 0 : i32
          %dma_start3A_46 = arith.constant 0 : i32
          %dma_start3A_47 = tpu.memref_slice %arg5[%arg1, %scan3A_26, %dma_start3A_45, %dma_start3A_46] : memref<16x5x40x100xi32, #tpu.memory_space<hbm>> -> memref<1x1x40x100xi32, #tpu.memory_space<hbm>>
          %dma_start3A_48 = tpu.memref_squeeze %dma_start3A_47 : memref<1x1x40x100xi32, #tpu.memory_space<hbm>> -> memref<40x100xi32, #tpu.memory_space<hbm>>
          %dma_start3A_49 = arith.constant 0 : i32
          %dma_start3A_50 = arith.constant 0 : i32
          %dma_start3A_51 = tpu.memref_slice %arg5[%arg1, %scan3A_26, %dma_start3A_49, %dma_start3A_50] : memref<16x5x40x100xi32, #tpu.memory_space<hbm>> -> memref<1x1x40x100xi32, #tpu.memory_space<hbm>>
          %dma_start3A_52 = tpu.memref_squeeze %dma_start3A_51 : memref<1x1x40x100xi32, #tpu.memory_space<hbm>> -> memref<40x100xi32, #tpu.memory_space<hbm>>
          tpu.enqueue_dma source(%dma_start3A_52 : memref<40x100xi32, #tpu.memory_space<hbm>>) target(%arg11 : memref<40x100xi32, #tpu.memory_space<vmem>>) target_semaphore(%run_scoped3A : memref<!tpu.dma_semaphore, #tpu.memory_space<semaphore_mem>>)
          %dma_wait3A_53 = arith.constant 0 : i32
          %dma_wait3A_54 = arith.constant 0 : i32
          %dma_wait3A_55 = tpu.memref_slice %arg5[%arg1, %scan3A_26, %dma_wait3A_53, %dma_wait3A_54] : memref<16x5x40x100xi32, #tpu.memory_space<hbm>> -> memref<1x1x40x100xi32, #tpu.memory_space<hbm>>
          %dma_wait3A_56 = tpu.memref_squeeze %dma_wait3A_55 : memref<1x1x40x100xi32, #tpu.memory_space<hbm>> -> memref<40x100xi32, #tpu.memory_space<hbm>>
          %dma_wait3A_57 = arith.constant 0 : i32
          %dma_wait3A_58 = arith.constant 0 : i32
          %dma_wait3A_59 = tpu.memref_slice %arg5[%arg1, %scan3A_26, %dma_wait3A_57, %dma_wait3A_58] : memref<16x5x40x100xi32, #tpu.memory_space<hbm>> -> memref<1x1x40x100xi32, #tpu.memory_space<hbm>>
          %dma_wait3A_60 = tpu.memref_squeeze %dma_wait3A_59 : memref<1x1x40x100xi32, #tpu.memory_space<hbm>> -> memref<40x100xi32, #tpu.memory_space<hbm>>
          tpu.wait_dma2 semaphore(%run_scoped3A : memref<!tpu.dma_semaphore, #tpu.memory_space<semaphore_mem>>) src(%dma_wait3A_60 : memref<40x100xi32, #tpu.memory_space<hbm>>) dst(%arg11 : memref<40x100xi32, #tpu.memory_space<vmem>>)
          tpu.yield
        }) : () -> ()
        %dma_start3A = arith.constant 0 : i32
        %dma_start3A_27 = arith.constant 0 : i32
        %dma_start3A_28 = tpu.memref_slice %arg10[%dma_start3A, %dma_start3A_27] : memref<40x100xi32, #tpu.memory_space<vmem>> -> memref<1x100xi32, #tpu.memory_space<vmem>>
        %dma_start3A_29 = tpu.memref_squeeze %dma_start3A_28 : memref<1x100xi32, #tpu.memory_space<vmem>> -> memref<100xi32, #tpu.memory_space<vmem>>
        %dma_start3A_30 = arith.constant 0 : i32
        %dma_start3A_31 = arith.constant 0 : i32
        %dma_start3A_32 = tpu.memref_slice %arg3[%dma_start3A_30, %dma_start3A_31] : memref<10000x64xf32, #tpu.memory_space<hbm>> -> memref<10000x64xf32, #tpu.memory_space<hbm>>
        tpu.enqueue_indirect_dma source(%dma_start3A_32 : memref<10000x64xf32, #tpu.memory_space<hbm>>) target(%arg12 : memref<100x64xf32, #tpu.memory_space<vmem>>) offsets(%dma_start3A_29 : memref<100xi32, #tpu.memory_space<vmem>>) semaphore(%arg14 : memref<!tpu.dma_semaphore, #tpu.memory_space<semaphore_mem>>)
        %scan3A_33 = arith.constant 0 : i32
        %scan3A_34 = arith.constant 0 : i32
        %scan3A_35 = arith.constant 20 : i32
        %scan3A_36 = arith.addi %scan3A_34, %scan3A_35 : i32
        %scan3A_37 = arith.constant 1 : i32
        scf.for %scan3A_45 = %scan3A_34 to %scan3A_36 step %scan3A_37  : i32 {
          %mul3A_46 = arith.constant 2 : i32
          %mul3A_47 = arith.muli %mul3A_46, %scan3A_45 : i32
          %dma_wait3A_48 = arith.constant 0 : i32
          %dma_wait3A_49 = arith.constant 0 : i32
          %dma_wait3A_50 = tpu.memref_slice %arg10[%dma_wait3A_48, %dma_wait3A_49] : memref<40x100xi32, #tpu.memory_space<vmem>> -> memref<1x100xi32, #tpu.memory_space<vmem>>
          %dma_wait3A_51 = tpu.memref_squeeze %dma_wait3A_50 : memref<1x100xi32, #tpu.memory_space<vmem>> -> memref<100xi32, #tpu.memory_space<vmem>>
          %dma_wait3A_52 = arith.constant 0 : i32
          %dma_wait3A_53 = arith.constant 0 : i32
          %dma_wait3A_54 = tpu.memref_slice %arg3[%dma_wait3A_52, %dma_wait3A_53] : memref<10000x64xf32, #tpu.memory_space<hbm>> -> memref<10000x64xf32, #tpu.memory_space<hbm>>
          tpu.wait_indirect_dma semaphore(%arg14 : memref<!tpu.dma_semaphore, #tpu.memory_space<semaphore_mem>>) src(%dma_wait3A_54 : memref<10000x64xf32, #tpu.memory_space<hbm>>) dst(%arg12 : memref<100x64xf32, #tpu.memory_space<vmem>>)
          %gt3A = arith.constant 0 : i32
          %gt3A_55 = arith.cmpi sgt, %scan3A_45, %gt3A : i32
          %convert_element_type3A_56 = arith.extui %gt3A_55 : i1 to i32
          %cond3A_57 = arith.constant 0 : i32
          %cond3A_58 = arith.cmpi ne, %convert_element_type3A_56, %cond3A_57 : i32
          scf.if %cond3A_58 {
            %dma_wait3A_98 = arith.constant 0 : i32
            %dma_wait3A_99 = arith.constant 0 : i32
            %dma_wait3A_100 = tpu.memref_slice %arg11[%dma_wait3A_98, %dma_wait3A_99] : memref<40x100xi32, #tpu.memory_space<vmem>> -> memref<1x100xi32, #tpu.memory_space<vmem>>
            %dma_wait3A_101 = tpu.memref_squeeze %dma_wait3A_100 : memref<1x100xi32, #tpu.memory_space<vmem>> -> memref<100xi32, #tpu.memory_space<vmem>>
            %dma_wait3A_102 = arith.constant 0 : i32
            %dma_wait3A_103 = arith.constant 0 : i32
            %dma_wait3A_104 = tpu.memref_slice %arg9[%dma_wait3A_102, %dma_wait3A_103] : memref<10240x64xf32, #tpu.memory_space<vmem_shared>> -> memref<10240x64xf32, #tpu.memory_space<vmem_shared>>
            tpu.wait_indirect_dma semaphore(%arg17 : memref<!tpu.dma_semaphore, #tpu.memory_space<semaphore_mem>>) src(%arg13 : memref<100x64xf32, #tpu.memory_space<vmem>>) dst(%dma_wait3A_104 : memref<10240x64xf32, #tpu.memory_space<vmem_shared>>)
          } else {
          }
          %add3A = arith.constant 1 : i32
          %add3A_59 = arith.addi %mul3A_47, %add3A : i32
          %dma_start3A_60 = arith.constant 0 : i32
          %dma_start3A_61 = tpu.memref_slice %arg10[%add3A_59, %dma_start3A_60] : memref<40x100xi32, #tpu.memory_space<vmem>> -> memref<1x100xi32, #tpu.memory_space<vmem>>
          %dma_start3A_62 = tpu.memref_squeeze %dma_start3A_61 : memref<1x100xi32, #tpu.memory_space<vmem>> -> memref<100xi32, #tpu.memory_space<vmem>>
          %dma_start3A_63 = arith.constant 0 : i32
          %dma_start3A_64 = arith.constant 0 : i32
          %dma_start3A_65 = tpu.memref_slice %arg3[%dma_start3A_63, %dma_start3A_64] : memref<10000x64xf32, #tpu.memory_space<hbm>> -> memref<10000x64xf32, #tpu.memory_space<hbm>>
          tpu.enqueue_indirect_dma source(%dma_start3A_65 : memref<10000x64xf32, #tpu.memory_space<hbm>>) target(%arg13 : memref<100x64xf32, #tpu.memory_space<vmem>>) offsets(%dma_start3A_62 : memref<100xi32, #tpu.memory_space<vmem>>) semaphore(%arg15 : memref<!tpu.dma_semaphore, #tpu.memory_space<semaphore_mem>>)
          %dma_start3A_66 = arith.constant 0 : i32
          %dma_start3A_67 = tpu.memref_slice %arg11[%mul3A_47, %dma_start3A_66] : memref<40x100xi32, #tpu.memory_space<vmem>> -> memref<1x100xi32, #tpu.memory_space<vmem>>
          %dma_start3A_68 = tpu.memref_squeeze %dma_start3A_67 : memref<1x100xi32, #tpu.memory_space<vmem>> -> memref<100xi32, #tpu.memory_space<vmem>>
          %dma_start3A_69 = arith.constant 0 : i32
          %dma_start3A_70 = arith.constant 0 : i32
          %dma_start3A_71 = tpu.memref_slice %arg9[%dma_start3A_69, %dma_start3A_70] : memref<10240x64xf32, #tpu.memory_space<vmem_shared>> -> memref<10240x64xf32, #tpu.memory_space<vmem_shared>>
          tpu.enqueue_indirect_dma source(%arg12 : memref<100x64xf32, #tpu.memory_space<vmem>>) target(%dma_start3A_71 : memref<10240x64xf32, #tpu.memory_space<vmem_shared>>) offsets(%dma_start3A_68 : memref<100xi32, #tpu.memory_space<vmem>>) semaphore(%arg16 : memref<!tpu.dma_semaphore, #tpu.memory_space<semaphore_mem>>) {add = true}
          %dma_wait3A_72 = arith.constant 0 : i32
          %dma_wait3A_73 = arith.constant 0 : i32
          %dma_wait3A_74 = tpu.memref_slice %arg10[%dma_wait3A_72, %dma_wait3A_73] : memref<40x100xi32, #tpu.memory_space<vmem>> -> memref<1x100xi32, #tpu.memory_space<vmem>>
          %dma_wait3A_75 = tpu.memref_squeeze %dma_wait3A_74 : memref<1x100xi32, #tpu.memory_space<vmem>> -> memref<100xi32, #tpu.memory_space<vmem>>
          %dma_wait3A_76 = arith.constant 0 : i32
          %dma_wait3A_77 = arith.constant 0 : i32
          %dma_wait3A_78 = tpu.memref_slice %arg3[%dma_wait3A_76, %dma_wait3A_77] : memref<10000x64xf32, #tpu.memory_space<hbm>> -> memref<10000x64xf32, #tpu.memory_space<hbm>>
          tpu.wait_indirect_dma semaphore(%arg15 : memref<!tpu.dma_semaphore, #tpu.memory_space<semaphore_mem>>) src(%dma_wait3A_78 : memref<10000x64xf32, #tpu.memory_space<hbm>>) dst(%arg13 : memref<100x64xf32, #tpu.memory_space<vmem>>)
          %dma_wait3A_79 = arith.constant 0 : i32
          %dma_wait3A_80 = arith.constant 0 : i32
          %dma_wait3A_81 = tpu.memref_slice %arg11[%dma_wait3A_79, %dma_wait3A_80] : memref<40x100xi32, #tpu.memory_space<vmem>> -> memref<1x100xi32, #tpu.memory_space<vmem>>
          %dma_wait3A_82 = tpu.memref_squeeze %dma_wait3A_81 : memref<1x100xi32, #tpu.memory_space<vmem>> -> memref<100xi32, #tpu.memory_space<vmem>>
          %dma_wait3A_83 = arith.constant 0 : i32
          %dma_wait3A_84 = arith.constant 0 : i32
          %dma_wait3A_85 = tpu.memref_slice %arg9[%dma_wait3A_83, %dma_wait3A_84] : memref<10240x64xf32, #tpu.memory_space<vmem_shared>> -> memref<10240x64xf32, #tpu.memory_space<vmem_shared>>
          tpu.wait_indirect_dma semaphore(%arg16 : memref<!tpu.dma_semaphore, #tpu.memory_space<semaphore_mem>>) src(%arg12 : memref<100x64xf32, #tpu.memory_space<vmem>>) dst(%dma_wait3A_85 : memref<10240x64xf32, #tpu.memory_space<vmem_shared>>)
          %lt3A = arith.constant 19 : i32
          %lt3A_86 = arith.cmpi slt, %scan3A_45, %lt3A : i32
          %convert_element_type3A_87 = arith.extui %lt3A_86 : i1 to i32
          %cond3A_88 = arith.constant 0 : i32
          %cond3A_89 = arith.cmpi ne, %convert_element_type3A_87, %cond3A_88 : i32
          scf.if %cond3A_89 {
            %add3A_98 = arith.constant 2 : i32
            %add3A_99 = arith.addi %mul3A_47, %add3A_98 : i32
            %dma_start3A_100 = arith.constant 0 : i32
            %dma_start3A_101 = tpu.memref_slice %arg10[%add3A_99, %dma_start3A_100] : memref<40x100xi32, #tpu.memory_space<vmem>> -> memref<1x100xi32, #tpu.memory_space<vmem>>
            %dma_start3A_102 = tpu.memref_squeeze %dma_start3A_101 : memref<1x100xi32, #tpu.memory_space<vmem>> -> memref<100xi32, #tpu.memory_space<vmem>>
            %dma_start3A_103 = arith.constant 0 : i32
            %dma_start3A_104 = arith.constant 0 : i32
            %dma_start3A_105 = tpu.memref_slice %arg3[%dma_start3A_103, %dma_start3A_104] : memref<10000x64xf32, #tpu.memory_space<hbm>> -> memref<10000x64xf32, #tpu.memory_space<hbm>>
            tpu.enqueue_indirect_dma source(%dma_start3A_105 : memref<10000x64xf32, #tpu.memory_space<hbm>>) target(%arg12 : memref<100x64xf32, #tpu.memory_space<vmem>>) offsets(%dma_start3A_102 : memref<100xi32, #tpu.memory_space<vmem>>) semaphore(%arg14 : memref<!tpu.dma_semaphore, #tpu.memory_space<semaphore_mem>>)
          } else {
          }
          %add3A_90 = arith.constant 1 : i32
          %add3A_91 = arith.addi %mul3A_47, %add3A_90 : i32
          %dma_start3A_92 = arith.constant 0 : i32
          %dma_start3A_93 = tpu.memref_slice %arg11[%add3A_91, %dma_start3A_92] : memref<40x100xi32, #tpu.memory_space<vmem>> -> memref<1x100xi32, #tpu.memory_space<vmem>>
          %dma_start3A_94 = tpu.memref_squeeze %dma_start3A_93 : memref<1x100xi32, #tpu.memory_space<vmem>> -> memref<100xi32, #tpu.memory_space<vmem>>
          %dma_start3A_95 = arith.constant 0 : i32
          %dma_start3A_96 = arith.constant 0 : i32
          %dma_start3A_97 = tpu.memref_slice %arg9[%dma_start3A_95, %dma_start3A_96] : memref<10240x64xf32, #tpu.memory_space<vmem_shared>> -> memref<10240x64xf32, #tpu.memory_space<vmem_shared>>
          tpu.enqueue_indirect_dma source(%arg13 : memref<100x64xf32, #tpu.memory_space<vmem>>) target(%dma_start3A_97 : memref<10240x64xf32, #tpu.memory_space<vmem_shared>>) offsets(%dma_start3A_94 : memref<100xi32, #tpu.memory_space<vmem>>) semaphore(%arg17 : memref<!tpu.dma_semaphore, #tpu.memory_space<semaphore_mem>>) {add = true}
        }
        %scan3A_38 = arith.constant 20 : i32
        %dma_wait3A = arith.constant 0 : i32
        %dma_wait3A_39 = arith.constant 0 : i32
        %dma_wait3A_40 = tpu.memref_slice %arg11[%dma_wait3A, %dma_wait3A_39] : memref<40x100xi32, #tpu.memory_space<vmem>> -> memref<1x100xi32, #tpu.memory_space<vmem>>
        %dma_wait3A_41 = tpu.memref_squeeze %dma_wait3A_40 : memref<1x100xi32, #tpu.memory_space<vmem>> -> memref<100xi32, #tpu.memory_space<vmem>>
        %dma_wait3A_42 = arith.constant 0 : i32
        %dma_wait3A_43 = arith.constant 0 : i32
        %dma_wait3A_44 = tpu.memref_slice %arg9[%dma_wait3A_42, %dma_wait3A_43] : memref<10240x64xf32, #tpu.memory_space<vmem_shared>> -> memref<10240x64xf32, #tpu.memory_space<vmem_shared>>
        tpu.wait_indirect_dma semaphore(%arg17 : memref<!tpu.dma_semaphore, #tpu.memory_space<semaphore_mem>>) src(%arg13 : memref<100x64xf32, #tpu.memory_space<vmem>>) dst(%dma_wait3A_44 : memref<10240x64xf32, #tpu.memory_space<vmem_shared>>)
      }
      %scan3A_25 = arith.constant 5 : i32
    } else {
    }
    %barrier3A_8 = arith.constant 0 : index
    tpu.barrier barrier_id(%barrier3A_8)
    %mul3A_9 = arith.constant 640 : i32
    %mul3A_10 = arith.muli %arg1, %mul3A_9 : i32
    %eq3A_11 = arith.constant 0 : i32
    %eq3A_12 = arith.cmpi eq, %arg0, %eq3A_11 : i32
    %convert_element_type3A_13 = arith.extui %eq3A_12 : i1 to i32
    %cond3A_14 = arith.constant 0 : i32
    %cond3A_15 = arith.cmpi ne, %convert_element_type3A_13, %cond3A_14 : i32
    scf.if %cond3A_15 {
      "tpu.region"() ({
        %run_scoped3A = tpu.sem_alloc : memref<!tpu.dma_semaphore, #tpu.memory_space<semaphore_mem>>
        %dma_start3A = arith.constant 0 : i32
        %dma_start3A_21 = tpu.memref_slice %arg7[%mul3A_10, %dma_start3A] : memref<10240x64xf32, #tpu.memory_space<hbm>> -> memref<640x64xf32, #tpu.memory_space<hbm>>
        %dma_start3A_22 = arith.constant 0 : i32
        %dma_start3A_23 = tpu.memref_slice %arg9[%mul3A_10, %dma_start3A_22] : memref<10240x64xf32, #tpu.memory_space<vmem_shared>> -> memref<640x64xf32, #tpu.memory_space<vmem_shared>>
        tpu.enqueue_dma source(%dma_start3A_23 : memref<640x64xf32, #tpu.memory_space<vmem_shared>>) target(%dma_start3A_21 : memref<640x64xf32, #tpu.memory_space<hbm>>) target_semaphore(%run_scoped3A : memref<!tpu.dma_semaphore, #tpu.memory_space<semaphore_mem>>)
        %dma_wait3A = arith.constant 0 : i32
        %dma_wait3A_24 = tpu.memref_slice %arg7[%mul3A_10, %dma_wait3A] : memref<10240x64xf32, #tpu.memory_space<hbm>> -> memref<640x64xf32, #tpu.memory_space<hbm>>
        %dma_wait3A_25 = arith.constant 0 : i32
        %dma_wait3A_26 = tpu.memref_slice %arg9[%mul3A_10, %dma_wait3A_25] : memref<10240x64xf32, #tpu.memory_space<vmem_shared>> -> memref<640x64xf32, #tpu.memory_space<vmem_shared>>
        tpu.wait_dma2 semaphore(%run_scoped3A : memref<!tpu.dma_semaphore, #tpu.memory_space<semaphore_mem>>) src(%dma_wait3A_26 : memref<640x64xf32, #tpu.memory_space<vmem_shared>>) dst(%dma_wait3A_24 : memref<640x64xf32, #tpu.memory_space<hbm>>)
        tpu.yield
      }) : () -> ()
    } else {
    }
    %eq3A_16 = arith.constant 1 : i32
    %eq3A_17 = arith.cmpi eq, %arg0, %eq3A_16 : i32
    %convert_element_type3A_18 = arith.extui %eq3A_17 : i1 to i32
    %cond3A_19 = arith.constant 0 : i32
    %cond3A_20 = arith.cmpi ne, %convert_element_type3A_18, %cond3A_19 : i32
    scf.if %cond3A_20 {
      "tpu.region"() ({
        %run_scoped3A = tpu.sem_alloc : memref<!tpu.dma_semaphore, #tpu.memory_space<semaphore_mem>>
        %dma_start3A = arith.constant 0 : i32
        %dma_start3A_21 = tpu.memref_slice %arg8[%mul3A_10, %dma_start3A] : memref<10240x64xf32, #tpu.memory_space<hbm>> -> memref<640x64xf32, #tpu.memory_space<hbm>>
        %dma_start3A_22 = arith.constant 0 : i32
        %dma_start3A_23 = tpu.memref_slice %arg9[%mul3A_10, %dma_start3A_22] : memref<10240x64xf32, #tpu.memory_space<vmem_shared>> -> memref<640x64xf32, #tpu.memory_space<vmem_shared>>
        tpu.enqueue_dma source(%dma_start3A_23 : memref<640x64xf32, #tpu.memory_space<vmem_shared>>) target(%dma_start3A_21 : memref<640x64xf32, #tpu.memory_space<hbm>>) target_semaphore(%run_scoped3A : memref<!tpu.dma_semaphore, #tpu.memory_space<semaphore_mem>>)
        %dma_wait3A = arith.constant 0 : i32
        %dma_wait3A_24 = tpu.memref_slice %arg8[%mul3A_10, %dma_wait3A] : memref<10240x64xf32, #tpu.memory_space<hbm>> -> memref<640x64xf32, #tpu.memory_space<hbm>>
        %dma_wait3A_25 = arith.constant 0 : i32
        %dma_wait3A_26 = tpu.memref_slice %arg9[%mul3A_10, %dma_wait3A_25] : memref<10240x64xf32, #tpu.memory_space<vmem_shared>> -> memref<640x64xf32, #tpu.memory_space<vmem_shared>>
        tpu.wait_dma2 semaphore(%run_scoped3A : memref<!tpu.dma_semaphore, #tpu.memory_space<semaphore_mem>>) src(%dma_wait3A_26 : memref<640x64xf32, #tpu.memory_space<vmem_shared>>) dst(%dma_wait3A_24 : memref<640x64xf32, #tpu.memory_space<hbm>>)
        tpu.yield
      }) : () -> ()
    } else {
    }
    return
  }
}

module attributes {stable_mosaic.version = 14 : i64} {
  func.func @body(%arg0: i32, %arg1: memref<1000x128xf32, #tpu.memory_space<vmem>>, %arg2: memref<128x256xf32, #tpu.memory_space<vmem>>, %arg3: memref<1000x8xf32, #tpu.memory_space<vmem>>, %arg4: memref<1000x128xf32, #tpu.memory_space<vmem>>, %arg5: memref<1000x128xf32, #tpu.memory_space<vmem>>) attributes {dimension_semantics = [#tpu.dimension_semantics<arbitrary>], iteration_bounds = array<i64: 10>, scalar_prefetch = 0 : i64, scratch_operands = 0 : i64, tpu.core_type = #tpu.core_type<tc>, window_params = [{transform_indices = @transform_0, window_bounds = array<i64: 1000, 128>}, {pipeline_mode = #tpu.pipeline_mode<synchronous>, transform_indices = @transform_1, window_bounds = array<i64: 128, 256>}, {transform_indices = @transform_2, window_bounds = array<i64: 1000, 8>}, {transform_indices = @transform_3, window_bounds = array<i64: 1000, 128>}, {transform_indices = @transform_4, window_bounds = array<i64: 1000, 128>}]} {
    %get3A = arith.constant 0 : index
    %get3A_0 = arith.constant 0 : index
    %get3A_1 = vector.load %arg3[%get3A, %get3A_0] : memref<1000x8xf32, #tpu.memory_space<vmem>>, vector<1000x8xf32>
    %slice3A = vector.extract_strided_slice %get3A_1 {offsets = [0, 0], sizes = [1000, 1], strides = [1, 1]} : vector<1000x8xf32> to vector<1000x1xf32>
    %max3A = arith.constant 1.000000e+00 : f32
    %max3A_2 = vector.broadcast %max3A : f32 to vector<1000x1xf32>
    %max3A_3 = arith.maximumf %slice3A, %max3A_2 : vector<1000x1xf32>
    %rsqrt3A = math.rsqrt %max3A_3 : vector<1000x1xf32>
    %get3A_4 = arith.constant 0 : index
    %get3A_5 = arith.constant 0 : index
    %get3A_6 = vector.load %arg1[%get3A_4, %get3A_5] : memref<1000x128xf32, #tpu.memory_space<vmem>>, vector<1000x128xf32>
    %mul3A = vector.broadcast %rsqrt3A : vector<1000x1xf32> to vector<1000x128xf32>
    %mul3A_7 = arith.mulf %get3A_6, %mul3A : vector<1000x128xf32>
    %get3A_8 = arith.constant 0 : index
    %get3A_9 = arith.constant 0 : index
    %get3A_10 = vector.load %arg2[%get3A_8, %get3A_9] : memref<128x256xf32, #tpu.memory_space<vmem>>, vector<128x256xf32>
    %dot_general3A = arith.constant dense<0.000000e+00> : vector<1000x256xf32>
    %dot_general3A_11 = tpu.matmul %mul3A_7, %get3A_10, %dot_general3A {dimension_numbers = #tpu.dot_dimension_numbers<[1], [0], [0], [1], [0, 0, 1, 1], [], []>, precision = #tpu.contract_precision<fp32>, transpose_lhs_hint = false} : vector<1000x128xf32>, vector<128x256xf32>, vector<1000x256xf32> -> vector<1000x256xf32>
    %slice3A_12 = vector.extract_strided_slice %dot_general3A_11 {offsets = [0, 0], sizes = [1000, 128], strides = [1, 1]} : vector<1000x256xf32> to vector<1000x128xf32>
    %swap3A = arith.constant 0 : index
    %swap3A_13 = arith.constant 0 : index
    %swap3A_14 = vector.load %arg4[%swap3A, %swap3A_13] : memref<1000x128xf32, #tpu.memory_space<vmem>>, vector<1000x128xf32>
    tpu.vector_store %arg4[%swap3A, %swap3A_13], %slice3A_12 {strides = array<i32>} : memref<1000x128xf32, #tpu.memory_space<vmem>>, vector<1000x128xf32>,
    %slice3A_15 = vector.extract_strided_slice %dot_general3A_11 {offsets = [0, 128], sizes = [1000, 128], strides = [1, 1]} : vector<1000x256xf32> to vector<1000x128xf32>
    %swap3A_16 = arith.constant 0 : index
    %swap3A_17 = arith.constant 0 : index
    %swap3A_18 = vector.load %arg5[%swap3A_16, %swap3A_17] : memref<1000x128xf32, #tpu.memory_space<vmem>>, vector<1000x128xf32>
    tpu.vector_store %arg5[%swap3A_16, %swap3A_17], %slice3A_15 {strides = array<i32>} : memref<1000x128xf32, #tpu.memory_space<vmem>>, vector<1000x128xf32>,
    return
  }
  func.func @transform_0(%arg0: i32) -> (i32, i32) {
    %c0_i32 = arith.constant 0 : i32
    %c0_i32_0 = arith.constant 0 : i32
    return %arg0, %c0_i32 : i32, i32
  }
  func.func @transform_1(%arg0: i32) -> (i32, i32) {
    %c0_i32 = arith.constant 0 : i32
    %c0_i32_0 = arith.constant 0 : i32
    %c0_i32_1 = arith.constant 0 : i32
    return %c0_i32, %c0_i32_0 : i32, i32
  }
  func.func @transform_2(%arg0: i32) -> (i32, i32) {
    %c0_i32 = arith.constant 0 : i32
    %c0_i32_0 = arith.constant 0 : i32
    return %arg0, %c0_i32 : i32, i32
  }
  func.func @transform_3(%arg0: i32) -> (i32, i32) {
    %c0_i32 = arith.constant 0 : i32
    %c0_i32_0 = arith.constant 0 : i32
    return %arg0, %c0_i32 : i32, i32
  }
  func.func @transform_4(%arg0: i32) -> (i32, i32) {
    %c0_i32 = arith.constant 0 : i32
    %c0_i32_0 = arith.constant 0 : i32
    return %arg0, %c0_i32 : i32, i32
  }
}

module attributes {stable_mosaic.version = 14 : i64} {
  func.func @body(%arg0: i32, %arg1: memref<1000x128xf32, #tpu.memory_space<vmem>>, %arg2: memref<1000x128xf32, #tpu.memory_space<vmem>>, %arg3: memref<1000x8xf32, #tpu.memory_space<vmem>>, %arg4: memref<1000x8xf32, #tpu.memory_space<vmem>>, %arg5: memref<1x256xf32, #tpu.memory_space<vmem>>, %arg6: memref<256x128xf32, #tpu.memory_space<vmem>>, %arg7: memref<1000x64xf32, #tpu.memory_space<vmem>>, %arg8: memref<1000x64xf32, #tpu.memory_space<vmem>>) attributes {dimension_semantics = [#tpu.dimension_semantics<arbitrary>], iteration_bounds = array<i64: 10>, scalar_prefetch = 0 : i64, scratch_operands = 0 : i64, tpu.core_type = #tpu.core_type<tc>, window_params = [{transform_indices = @transform_0, window_bounds = array<i64: 1000, 128>}, {transform_indices = @transform_1, window_bounds = array<i64: 1000, 128>}, {transform_indices = @transform_2, window_bounds = array<i64: 1000, 8>}, {transform_indices = @transform_3, window_bounds = array<i64: 1000, 8>}, {pipeline_mode = #tpu.pipeline_mode<synchronous>, transform_indices = @transform_4, window_bounds = array<i64: 1, 256>}, {pipeline_mode = #tpu.pipeline_mode<synchronous>, transform_indices = @transform_5, window_bounds = array<i64: 256, 128>}, {transform_indices = @transform_6, window_bounds = array<i64: 1000, 64>}, {transform_indices = @transform_7, window_bounds = array<i64: 1000, 64>}]} {
    %get3A = arith.constant 0 : index
    %get3A_0 = arith.constant 0 : index
    %get3A_1 = vector.load %arg3[%get3A, %get3A_0] : memref<1000x8xf32, #tpu.memory_space<vmem>>, vector<1000x8xf32>
    %slice3A = vector.extract_strided_slice %get3A_1 {offsets = [0, 0], sizes = [1000, 1], strides = [1, 1]} : vector<1000x8xf32> to vector<1000x1xf32>
    %max3A = arith.constant 1.000000e+00 : f32
    %max3A_2 = vector.broadcast %max3A : f32 to vector<1000x1xf32>
    %max3A_3 = arith.maximumf %slice3A, %max3A_2 : vector<1000x1xf32>
    %rsqrt3A = math.rsqrt %max3A_3 : vector<1000x1xf32>
    %get3A_4 = arith.constant 0 : index
    %get3A_5 = arith.constant 0 : index
    %get3A_6 = vector.load %arg4[%get3A_4, %get3A_5] : memref<1000x8xf32, #tpu.memory_space<vmem>>, vector<1000x8xf32>
    %slice3A_7 = vector.extract_strided_slice %get3A_6 {offsets = [0, 0], sizes = [1000, 1], strides = [1, 1]} : vector<1000x8xf32> to vector<1000x1xf32>
    %max3A_8 = arith.constant 1.000000e+00 : f32
    %max3A_9 = vector.broadcast %max3A_8 : f32 to vector<1000x1xf32>
    %max3A_10 = arith.maximumf %slice3A_7, %max3A_9 : vector<1000x1xf32>
    %rsqrt3A_11 = math.rsqrt %max3A_10 : vector<1000x1xf32>
    %get3A_12 = arith.constant 0 : index
    %get3A_13 = arith.constant 0 : index
    %get3A_14 = vector.load %arg1[%get3A_12, %get3A_13] : memref<1000x128xf32, #tpu.memory_space<vmem>>, vector<1000x128xf32>
    %mul3A = vector.broadcast %rsqrt3A : vector<1000x1xf32> to vector<1000x128xf32>
    %mul3A_15 = arith.mulf %get3A_14, %mul3A : vector<1000x128xf32>
    %get3A_16 = arith.constant 0 : index
    %get3A_17 = arith.constant 0 : index
    %get3A_18 = vector.load %arg5[%get3A_16, %get3A_17] : memref<1x256xf32, #tpu.memory_space<vmem>>, vector<1x128xf32>
    %add3A = vector.broadcast %get3A_18 : vector<1x128xf32> to vector<1000x128xf32>
    %add3A_19 = arith.addf %mul3A_15, %add3A : vector<1000x128xf32>
    %max3A_20 = arith.constant 0.000000e+00 : f32
    %max3A_21 = vector.broadcast %max3A_20 : f32 to vector<1000x128xf32>
    %max3A_22 = arith.maximumf %add3A_19, %max3A_21 : vector<1000x128xf32>
    %mul3A_23 = vector.broadcast %rsqrt3A_11 : vector<1000x1xf32> to vector<1000x128xf32>
    %mul3A_24 = arith.mulf %max3A_22, %mul3A_23 : vector<1000x128xf32>
    %get3A_25 = arith.constant 0 : index
    %get3A_26 = arith.constant 0 : index
    %get3A_27 = vector.load %arg2[%get3A_25, %get3A_26] : memref<1000x128xf32, #tpu.memory_space<vmem>>, vector<1000x128xf32>
    %mul3A_28 = vector.broadcast %rsqrt3A : vector<1000x1xf32> to vector<1000x128xf32>
    %mul3A_29 = arith.mulf %get3A_27, %mul3A_28 : vector<1000x128xf32>
    %get3A_30 = arith.constant 0 : index
    %get3A_31 = arith.constant 128 : index
    %get3A_32 = vector.load %arg5[%get3A_30, %get3A_31] : memref<1x256xf32, #tpu.memory_space<vmem>>, vector<1x128xf32>
    %add3A_33 = vector.broadcast %get3A_32 : vector<1x128xf32> to vector<1000x128xf32>
    %add3A_34 = arith.addf %mul3A_29, %add3A_33 : vector<1000x128xf32>
    %max3A_35 = arith.constant 0.000000e+00 : f32
    %max3A_36 = vector.broadcast %max3A_35 : f32 to vector<1000x128xf32>
    %max3A_37 = arith.maximumf %add3A_34, %max3A_36 : vector<1000x128xf32>
    %mul3A_38 = vector.broadcast %rsqrt3A_11 : vector<1000x1xf32> to vector<1000x128xf32>
    %mul3A_39 = arith.mulf %max3A_37, %mul3A_38 : vector<1000x128xf32>
    %get3A_40 = arith.constant 0 : index
    %get3A_41 = arith.constant 0 : index
    %get3A_42 = vector.load %arg6[%get3A_40, %get3A_41] : memref<256x128xf32, #tpu.memory_space<vmem>>, vector<128x128xf32>
    %dot_general3A = arith.constant dense<0.000000e+00> : vector<1000x128xf32>
    %dot_general3A_43 = tpu.matmul %mul3A_24, %get3A_42, %dot_general3A {dimension_numbers = #tpu.dot_dimension_numbers<[1], [0], [0], [1], [0, 0, 1, 1], [], []>, precision = #tpu.contract_precision<fp32>, transpose_lhs_hint = false} : vector<1000x128xf32>, vector<128x128xf32>, vector<1000x128xf32> -> vector<1000x128xf32>
    %get3A_44 = arith.constant 128 : index
    %get3A_45 = arith.constant 0 : index
    %get3A_46 = vector.load %arg6[%get3A_44, %get3A_45] : memref<256x128xf32, #tpu.memory_space<vmem>>, vector<128x128xf32>
    %dot_general3A_47 = arith.constant dense<0.000000e+00> : vector<1000x128xf32>
    %dot_general3A_48 = tpu.matmul %mul3A_39, %get3A_46, %dot_general3A_47 {dimension_numbers = #tpu.dot_dimension_numbers<[1], [0], [0], [1], [0, 0, 1, 1], [], []>, precision = #tpu.contract_precision<fp32>, transpose_lhs_hint = false} : vector<1000x128xf32>, vector<128x128xf32>, vector<1000x128xf32> -> vector<1000x128xf32>
    %add3A_49 = arith.addf %dot_general3A_43, %dot_general3A_48 : vector<1000x128xf32>
    %slice3A_50 = vector.extract_strided_slice %add3A_49 {offsets = [0, 0], sizes = [1000, 64], strides = [1, 1]} : vector<1000x128xf32> to vector<1000x64xf32>
    %swap3A = arith.constant 0 : index
    %swap3A_51 = arith.constant 0 : index
    %swap3A_52 = vector.load %arg7[%swap3A, %swap3A_51] : memref<1000x64xf32, #tpu.memory_space<vmem>>, vector<1000x64xf32>
    tpu.vector_store %arg7[%swap3A, %swap3A_51], %slice3A_50 {strides = array<i32>} : memref<1000x64xf32, #tpu.memory_space<vmem>>, vector<1000x64xf32>,
    %slice3A_53 = vector.extract_strided_slice %add3A_49 {offsets = [0, 64], sizes = [1000, 64], strides = [1, 1]} : vector<1000x128xf32> to vector<1000x64xf32>
    %swap3A_54 = arith.constant 0 : index
    %swap3A_55 = arith.constant 0 : index
    %swap3A_56 = vector.load %arg8[%swap3A_54, %swap3A_55] : memref<1000x64xf32, #tpu.memory_space<vmem>>, vector<1000x64xf32>
    tpu.vector_store %arg8[%swap3A_54, %swap3A_55], %slice3A_53 {strides = array<i32>} : memref<1000x64xf32, #tpu.memory_space<vmem>>, vector<1000x64xf32>,
    return
  }
  func.func @transform_0(%arg0: i32) -> (i32, i32) {
    %c0_i32 = arith.constant 0 : i32
    %c0_i32_0 = arith.constant 0 : i32
    return %arg0, %c0_i32 : i32, i32
  }
  func.func @transform_1(%arg0: i32) -> (i32, i32) {
    %c0_i32 = arith.constant 0 : i32
    %c0_i32_0 = arith.constant 0 : i32
    return %arg0, %c0_i32 : i32, i32
  }
  func.func @transform_2(%arg0: i32) -> (i32, i32) {
    %c0_i32 = arith.constant 0 : i32
    %c0_i32_0 = arith.constant 0 : i32
    return %arg0, %c0_i32 : i32, i32
  }
  func.func @transform_3(%arg0: i32) -> (i32, i32) {
    %c0_i32 = arith.constant 0 : i32
    %c0_i32_0 = arith.constant 0 : i32
    return %arg0, %c0_i32 : i32, i32
  }
  func.func @transform_4(%arg0: i32) -> (i32, i32) {
    %c0_i32 = arith.constant 0 : i32
    %c0_i32_0 = arith.constant 0 : i32
    %c0_i32_1 = arith.constant 0 : i32
    return %c0_i32, %c0_i32_0 : i32, i32
  }
  func.func @transform_5(%arg0: i32) -> (i32, i32) {
    %c0_i32 = arith.constant 0 : i32
    %c0_i32_0 = arith.constant 0 : i32
    %c0_i32_1 = arith.constant 0 : i32
    return %c0_i32, %c0_i32_0 : i32, i32
  }
  func.func @transform_6(%arg0: i32) -> (i32, i32) {
    %c0_i32 = arith.constant 0 : i32
    %c0_i32_0 = arith.constant 0 : i32
    return %arg0, %c0_i32 : i32, i32
  }
  func.func @transform_7(%arg0: i32) -> (i32, i32) {
    %c0_i32 = arith.constant 0 : i32
    %c0_i32_0 = arith.constant 0 : i32
    return %arg0, %c0_i32 : i32, i32
  }
}

module attributes {stable_mosaic.version = 14 : i64} {
  func.func @body(%arg0: i32, %arg1: memref<1000x64xf32, #tpu.memory_space<vmem>>, %arg2: memref<1000x64xf32, #tpu.memory_space<vmem>>, %arg3: memref<1000x8xf32, #tpu.memory_space<vmem>>, %arg4: memref<1x128xf32, #tpu.memory_space<vmem>>, %arg5: memref<1x128xf32, #tpu.memory_space<vmem>>) attributes {dimension_semantics = [#tpu.dimension_semantics<arbitrary>], iteration_bounds = array<i64: 10>, scalar_prefetch = 0 : i64, scratch_operands = 0 : i64, tpu.core_type = #tpu.core_type<tc>, window_params = [{transform_indices = @transform_0, window_bounds = array<i64: 1000, 64>}, {transform_indices = @transform_1, window_bounds = array<i64: 1000, 64>}, {transform_indices = @transform_2, window_bounds = array<i64: 1000, 8>}, {pipeline_mode = #tpu.pipeline_mode<synchronous>, transform_indices = @transform_3, window_bounds = array<i64: 1, 128>}, {pipeline_mode = #tpu.pipeline_mode<synchronous>, transform_indices = @transform_4, window_bounds = array<i64: 1, 128>}]} {
    %get3A = arith.constant 0 : index
    %get3A_0 = arith.constant 0 : index
    %get3A_1 = vector.load %arg3[%get3A, %get3A_0] : memref<1000x8xf32, #tpu.memory_space<vmem>>, vector<1000x8xf32>
    %slice3A = vector.extract_strided_slice %get3A_1 {offsets = [0, 0], sizes = [1000, 1], strides = [1, 1]} : vector<1000x8xf32> to vector<1000x1xf32>
    %max3A = arith.constant 1.000000e+00 : f32
    %max3A_2 = vector.broadcast %max3A : f32 to vector<1000x1xf32>
    %max3A_3 = arith.maximumf %slice3A, %max3A_2 : vector<1000x1xf32>
    %rsqrt3A = math.rsqrt %max3A_3 : vector<1000x1xf32>
    %get3A_4 = arith.constant 0 : index
    %get3A_5 = arith.constant 0 : index
    %get3A_6 = vector.load %arg1[%get3A_4, %get3A_5] : memref<1000x64xf32, #tpu.memory_space<vmem>>, vector<1000x64xf32>
    %mul3A = vector.broadcast %rsqrt3A : vector<1000x1xf32> to vector<1000x64xf32>
    %mul3A_7 = arith.mulf %get3A_6, %mul3A : vector<1000x64xf32>
    %get3A_8 = arith.constant 0 : index
    %get3A_9 = arith.constant 0 : index
    %get3A_10 = vector.load %arg4[%get3A_8, %get3A_9] : memref<1x128xf32, #tpu.memory_space<vmem>>, vector<1x64xf32>
    %add3A = vector.broadcast %get3A_10 : vector<1x64xf32> to vector<1000x64xf32>
    %add3A_11 = arith.addf %mul3A_7, %add3A : vector<1000x64xf32>
    %max3A_12 = arith.constant 0.000000e+00 : f32
    %max3A_13 = vector.broadcast %max3A_12 : f32 to vector<1000x64xf32>
    %max3A_14 = arith.maximumf %add3A_11, %max3A_13 : vector<1000x64xf32>
    %get3A_15 = arith.constant 0 : index
    %get3A_16 = arith.constant 0 : index
    %get3A_17 = vector.load %arg2[%get3A_15, %get3A_16] : memref<1000x64xf32, #tpu.memory_space<vmem>>, vector<1000x64xf32>
    %mul3A_18 = vector.broadcast %rsqrt3A : vector<1000x1xf32> to vector<1000x64xf32>
    %mul3A_19 = arith.mulf %get3A_17, %mul3A_18 : vector<1000x64xf32>
    %get3A_20 = arith.constant 0 : index
    %get3A_21 = arith.constant 64 : index
    %get3A_22 = vector.load %arg4[%get3A_20, %get3A_21] : memref<1x128xf32, #tpu.memory_space<vmem>>, vector<1x64xf32>
    %add3A_23 = vector.broadcast %get3A_22 : vector<1x64xf32> to vector<1000x64xf32>
    %add3A_24 = arith.addf %mul3A_19, %add3A_23 : vector<1000x64xf32>
    %max3A_25 = arith.constant 0.000000e+00 : f32
    %max3A_26 = vector.broadcast %max3A_25 : f32 to vector<1000x64xf32>
    %max3A_27 = arith.maximumf %add3A_24, %max3A_26 : vector<1000x64xf32>
    %reduce_sum3A = arith.constant dense<0.000000e+00> : vector<64xf32>
    %reduce_sum3A_28 = vector.multi_reduction <add>, %max3A_14, %reduce_sum3A [0] : vector<1000x64xf32> to vector<64xf32>
    %broadcast_in_dim3A = vector.shape_cast %reduce_sum3A_28 : vector<64xf32> to vector<1x64xf32>
    %reduce_sum3A_29 = arith.constant dense<0.000000e+00> : vector<64xf32>
    %reduce_sum3A_30 = vector.multi_reduction <add>, %max3A_27, %reduce_sum3A_29 [0] : vector<1000x64xf32> to vector<64xf32>
    %broadcast_in_dim3A_31 = vector.shape_cast %reduce_sum3A_30 : vector<64xf32> to vector<1x64xf32>
    %concatenate3A = tpu.concatenate %broadcast_in_dim3A, %broadcast_in_dim3A_31 in 1 : vector<1x64xf32>, vector<1x64xf32> -> vector<1x128xf32>
    %mul3A_32 = arith.constant 9.99999974E-5 : f32
    %mul3A_33 = vector.broadcast %mul3A_32 : f32 to vector<1x128xf32>
    %mul3A_34 = arith.mulf %concatenate3A, %mul3A_33 : vector<1x128xf32>
    %eq3A = arith.constant 0 : i32
    %eq3A_35 = arith.cmpi eq, %arg0, %eq3A : i32
    %convert_element_type3A = arith.extui %eq3A_35 : i1 to i32
    %cond3A = arith.constant 0 : i32
    %cond3A_36 = arith.cmpi ne, %convert_element_type3A, %cond3A : i32
    scf.if %cond3A_36 {
      %broadcast_in_dim3A_43 = arith.constant 0.000000e+00 : f32
      %broadcast_in_dim3A_44 = vector.broadcast %broadcast_in_dim3A_43 : f32 to vector<1x128xf32>
      %swap3A_45 = arith.constant 0 : index
      %swap3A_46 = arith.constant 0 : index
      %swap3A_47 = vector.load %arg5[%swap3A_45, %swap3A_46] : memref<1x128xf32, #tpu.memory_space<vmem>>, vector<1x128xf32>
      tpu.vector_store %arg5[%swap3A_45, %swap3A_46], %broadcast_in_dim3A_44 {strides = array<i32>} : memref<1x128xf32, #tpu.memory_space<vmem>>, vector<1x128xf32>,
    } else {
    }
    %get3A_37 = arith.constant 0 : index
    %get3A_38 = arith.constant 0 : index
    %get3A_39 = vector.load %arg5[%get3A_37, %get3A_38] : memref<1x128xf32, #tpu.memory_space<vmem>>, vector<1x128xf32>
    %add3A_40 = arith.addf %get3A_39, %mul3A_34 : vector<1x128xf32>
    %swap3A = arith.constant 0 : index
    %swap3A_41 = arith.constant 0 : index
    %swap3A_42 = vector.load %arg5[%swap3A, %swap3A_41] : memref<1x128xf32, #tpu.memory_space<vmem>>, vector<1x128xf32>
    tpu.vector_store %arg5[%swap3A, %swap3A_41], %add3A_40 {strides = array<i32>} : memref<1x128xf32, #tpu.memory_space<vmem>>, vector<1x128xf32>,
    return
  }
  func.func @transform_0(%arg0: i32) -> (i32, i32) {
    %c0_i32 = arith.constant 0 : i32
    %c0_i32_0 = arith.constant 0 : i32
    return %arg0, %c0_i32 : i32, i32
  }
  func.func @transform_1(%arg0: i32) -> (i32, i32) {
    %c0_i32 = arith.constant 0 : i32
    %c0_i32_0 = arith.constant 0 : i32
    return %arg0, %c0_i32 : i32, i32
  }
  func.func @transform_2(%arg0: i32) -> (i32, i32) {
    %c0_i32 = arith.constant 0 : i32
    %c0_i32_0 = arith.constant 0 : i32
    return %arg0, %c0_i32 : i32, i32
  }
  func.func @transform_3(%arg0: i32) -> (i32, i32) {
    %c0_i32 = arith.constant 0 : i32
    %c0_i32_0 = arith.constant 0 : i32
    %c0_i32_1 = arith.constant 0 : i32
    return %c0_i32, %c0_i32_0 : i32, i32
  }
  func.func @transform_4(%arg0: i32) -> (i32, i32) {
    %c0_i32 = arith.constant 0 : i32
    %c0_i32_0 = arith.constant 0 : i32
    %c0_i32_1 = arith.constant 0 : i32
    return %c0_i32, %c0_i32_0 : i32, i32
  }
}

</mosaic_0001>

<sc_bundles>
// kernel: kernel.11.cloned.1.call-start
scs
__scs_entry_jumppad:
0x0: {  	(pc) =	sbr.rel $0x88, $3  }
0x1: {  	(tag) =	ssettag $0x0;
	lr =	simm.s32 $0x1  }
0x2: {  	[smem:$0x3F9B] =	sst lr;
	_ =	strace $0xD0000000  }
0x3: {  	_ = 	snop  }
0x4: {  	_ = 	snop  }
0x5: {  	_ = 	snop  }
0x6: {  	_ = 	snop  }
0x7: {  	_ = 	snop  }
__scs_overlays_trampoline_lowered:
0x8: {  	[smem:$0x3FAA] =	sst s0  }
0x9: {  	[smem:$0x3FAB] =	sst s1  }
0xa: {  	[smem:$0x3FAC] =	sst s2  }
0xb: {  	[smem:$0x3FAD] =	sst s3  }
0xc: {  	[smem:$0x3FAE] =	sst s4  }
0xd: {  	[smem:$0x3FAF] =	sst s5  }
0xe: {  	[smem:$0x3FB0] =	sst s6  }
0xf: {  	[smem:$0x3FB1] =	sst s7  }
0x10: {  	[smem:$0x3FB2] =	sst s8  }
0x11: {  	[smem:$0x3FB3] =	sst s9;
	s0 =	simm.s32 @!p0 $0x0  }
0x12: {  	s1 =	sld [smem:$0x3F99];
	s0 =	simm.s32 @p0 $0x1  }
0x13: {  	[smem:$0x3FB4] =	sst s0;
	s0 =	simm.s32 @!p1 $0x0  }
0x14: {  	s2 =	sld [smem:$0x3F98];
	s0 =	simm.s32 @p1 $0x1  }
0x15: {  	[smem:$0x3FB5] =	sst s0;
	s0 =	simm.s32 @!p2 $0x0  }
0x16: {  	s3 =	sld [smem:$0x3FDB];
	s0 =	simm.s32 @p2 $0x1  }
0x17: {  	s4 =	simm.s32 $0x1BF5;
	[smem:$0x3FB7] =	sst s0  }
0x18: {  	s0 =	sld [smem:$0x3F9A];
	_ =	swait.ge [sflag:s4], $0x0  }
0x19: {  	s7 =	sld [smem:$0x3F9B]  }
0x1a: {  	s8 =	sadd.s32 $0xFFFFE003, lr  }
0x1b: {  	s9 =	sadd.s32 $0xFFFFFEF7, lr;
	s5 =	simm.s32 $0xFFFFFFFF;
	p2 =	slt.u32 s8, $0xFFFFF086  }
0x1c: {  	p1 =	slt.u32 s9, $0xF7A;
	s5 =	simm.s32 @!p2 $0x0  }
0x1d: {  	s5 =	simm.s32 @p1 $0x1;
	p0 =	seq.s32 s7, s2  }
0x1e: {  	s7 =	smul.u32 @!p0 $0xF7A, s2;
	p2 =	seq.s32 @!p0 s5, $0x0  }
0x1f: {  	s9 =	smul.u32 $0xF7A, s1;
	s8 =	simm.s32 @!p0 $0x1BF5;
	p2 =	por !p2, p0  }
0x20: {  	[sflag:s8] =	ssyncset.s32 @!p0 $0xFFFFF086;
	s6 =	sadd.s32 @!p0 s3, s7;
	s7 =	simm.s32 @!p0 $0x108  }
0x21: {  	s3 =	sadd.s32 s3, s9;
	s6 =	sadd.s32 @!p0 $0x88, s6;
	s7 =	simm.s32 @p2 $0x1082  }
0x22: {  	[simem:s7], [sflag:s8] =	dma.local @!p0 [hbm:s6], $0xF7A  }
0x23: {  	s9 =	sor.u32 $0xD0000000, s2;
	s6 =	simm.s32 $0x108;
	_ =	swait.ge @!p0 [sflag:s8], $0x0  }
0x24: {  	s3 =	sadd.s32 $0x88, s3;
	s6 =	simm.s32 @!p1 $0x1082;
	[sflag:s4] =	ssyncset.s32 $0xFFFFF086  }
0x25: {  	[simem:s6], [sflag:s4] =	dma.local [hbm:s3], $0xF7A  }
0x26: {  	[smem:$0x3F9B] =	sst s1;
	(tag) =	ssettag s2;
	_ =	strace s9  }
0x27: {  	s1 =	sld [smem:$0x3FAB]  }
0x28: {  	s2 =	sld [smem:$0x3FAC]  }
0x29: {  	s4 =	sld [smem:$0x3FAE]  }
0x2a: {  	p0 =	seq.s32 s5, $0x0;
	s5 =	sld [smem:$0x3FAF]  }
0x2b: {  	s6 =	sld [smem:$0x3FB0]  }
0x2c: {  	s7 =	sld [smem:$0x3FB1]  }
0x2d: {  	s3 =	simm.s32 $0x108;
	s8 =	sld [smem:$0x3FB2]  }
0x2e: {  	s3 =	simm.s32 @!p0 $0x1082;
	s9 =	sld [smem:$0x3FB3]  }
0x2f: {  	lr =	sadd.s32 s0, s3;
	s0 =	sld [smem:$0x3FAA]  }
0x30: {  	s3 =	sld [smem:$0x3FAD]  }
0x31: {  	[smem:$0x3FB6] =	sst s10  }
0x32: {  	s10 =	sld [smem:$0x3FB4];
	_ =	sdelay $0x3  }
0x33: {  	p0 =	seq.s32 s10, $0x1;
	s10 =	sld [smem:$0x3FB6];
	_ =	sdelay $0x3  }
0x34: {  	[smem:$0x3FB6] =	sst s10  }
0x35: {  	s10 =	sld [smem:$0x3FB5];
	_ =	sdelay $0x3  }
0x36: {  	p1 =	seq.s32 s10, $0x1;
	s10 =	sld [smem:$0x3FB6];
	_ =	sdelay $0x3  }
0x37: {  	[smem:$0x3FB6] =	sst s10  }
0x38: {  	s10 =	sld [smem:$0x3FB7]  }
0x39: {  	_ = 	snop;
	(pc) =	sbr.ind lr, $3  }
0x3a: {  	_ = 	snop  }
0x3b: {  	_ = 	snop  }
0x3c: {  	p2 =	seq.s32 s10, $0x1;
	s10 =	sld [smem:$0x3FB6]  }
0x3d: {  	_ =	shalt  }
0x3e: {  	_ =	shalt  }
0x3f: {  	_ =	shalt  }
0x40: {  	_ =	shalt  }
0x41: {  	_ =	shalt  }
0x42: {  	_ =	shalt  }
0x43: {  	_ =	shalt  }
0x44: {  	_ =	shalt  }
0x45: {  	_ =	shalt  }
0x46: {  	_ =	shalt  }
0x47: {  	_ =	shalt  }
0x48: {  	_ =	shalt  }
0x49: {  	_ =	shalt  }
0x4a: {  	_ =	shalt  }
0x4b: {  	_ =	shalt  }
0x4c: {  	_ =	shalt  }
0x4d: {  	_ =	shalt  }
0x4e: {  	_ =	shalt  }
0x4f: {  	_ =	shalt  }
0x50: {  	_ =	shalt  }
0x51: {  	_ =	shalt  }
0x52: {  	_ =	shalt  }
0x53: {  	_ =	shalt  }
0x54: {  	_ =	shalt  }
0x55: {  	_ =	shalt  }
0x56: {  	_ =	shalt  }
0x57: {  	_ =	shalt  }
0x58: {  	_ =	shalt  }
0x59: {  	_ =	shalt  }
0x5a: {  	_ =	shalt  }
0x5b: {  	_ =	shalt  }
0x5c: {  	_ =	shalt  }
0x5d: {  	_ =	shalt  }
0x5e: {  	_ =	shalt  }
0x5f: {  	_ =	shalt  }
0x60: {  	_ =	shalt  }
0x61: {  	_ =	shalt  }
0x62: {  	_ =	shalt  }
0x63: {  	_ =	shalt  }
0x64: {  	_ =	shalt  }
0x65: {  	_ =	shalt  }
0x66: {  	_ =	shalt  }
0x67: {  	_ =	shalt  }
0x68: {  	_ =	shalt  }
0x69: {  	_ =	shalt  }
0x6a: {  	_ =	shalt  }
0x6b: {  	_ =	shalt  }
0x6c: {  	_ =	shalt  }
0x6d: {  	_ =	shalt  }
0x6e: {  	_ =	shalt  }
0x6f: {  	_ =	shalt  }
0x70: {  	_ =	shalt  }
0x71: {  	_ =	shalt  }
0x72: {  	_ =	shalt  }
0x73: {  	_ =	shalt  }
0x74: {  	_ =	shalt  }
0x75: {  	_ =	shalt  }
0x76: {  	_ =	shalt  }
0x77: {  	_ =	shalt  }
0x78: {  	_ =	shalt  }
0x79: {  	_ =	shalt  }
0x7a: {  	_ =	shalt  }
0x7b: {  	_ =	shalt  }
0x7c: {  	_ =	shalt  }
0x7d: {  	_ =	shalt  }
0x7e: {  	_ =	shalt  }
0x7f: {  	_ =	shalt  }
0x80: {  	_ =	shalt  }
0x81: {  	_ =	shalt  }
0x82: {  	_ =	shalt  }
0x83: {  	_ =	shalt  }
0x84: {  	_ =	shalt  }
0x85: {  	_ =	shalt  }
0x86: {  	_ =	shalt  }
0x87: {  	_ =	shalt  }
.Lfunc_end0:
.L_simem_size_0:
called_computation.1_lowered:
.L_overlay_start_0:
0x88: {  	s2 =	sld [smem:$0x3FD9]  }
0x89: {  	s3 =	sld [smem:$0x3FFE];
	_ =	sdelay $0x1  }
0x8a: {  	s1 =	srdreg.scid  }
0x8b: {  	s0 =	sand.u32 $0x1, s1  }
0x8c: {  	s16 =	sshll.u32 s0, $0xA;
	s2 =	sadd.s32 s3, s2  }
0x8d: {  	s2 =	sadd.s32 s2, s16  }
0x8e: {  	[smem:$0x3FC2] =	sst s2  }
0x8f: {  	_ = 	snop  }
0x90: {  	(tm) =	ssettm $0x1  }
0x91: {  	s17 =	sld [smem:$0x3FFB];
	_ =	sdelay $0x3  }
0x92: {  	_ =	strace s17  }
0x93: {  	s2 =	sld [smem:$0x3FFC];
	_ =	sdelay $0x3  }
0x94: {  	_ =	strace s2  }
0x95: {  	s2 =	sld [smem:$0x3FFD];
	_ =	sdelay $0x3  }
0x96: {  	_ =	strace s2  }
0x97: {  	_ =	strace $0x8FFFFFFF  }
0x98: {  	s18 =	sld [smem:$0x3FDB];
	_ =	sdelay $0x1  }
0x99: {  	s19 =	simm.s32 $_scs_section_size  }
0x9a: {  	s4 =	simm.s32 $_size__tile_overlayer_lowered;
	s5 =	simm.s32 $_tile_overlayer_lowered  }
0x9b: {  	s22 =	simm.s32 $0x1BFF;
	s21 =	sshll.u32 s5, $0x1;
	s2 =	sadd.s32 s19, s18  }
0x9c: {  	s6 =	simm.s32 $0x0;
	s20 =	sshll.u32 s4, $0x1;
	s4 =	sadd.s32 s21, s2  }
0x9d: {  	[timem:s6], [sflag:s22] =	dma.local [hbm:s4], s20  }
0x9e: {  	_ =	swait.ge [sflag:s22], s20  }
0x9f: {  	s3 =	ssub.s32 $0x0, s20;
	[sflag:s22] =	ssyncset.done $0x0  }
0xa0: {  	[sflag:s22] =	ssyncadd.s32 s3;
	_ =	sdelay $0x1  }
0xa1: {  	s23 =	simm.s32 $0x1B8B  }
0xa2: {  	_ =	swait.ge [sflag:s23], $0x1  }
0xa3: {  	[sflag:s23] =	ssyncset.done $0x0  }
0xa4: {  	s25 =	simm.s32 $0x1B8E;
	s24 =	sld [smem:$0x3FFE];
	[sflag:s23] =	ssyncadd.s32 $0xFFFFFFFF  }
0xa5: {  	s26 =	simm.s32 $execute0_lowered;
	[smem:$0x3FD2] =	sst s25  }
0xa6: {  	s4 =	sshll.u32 s26, $0x1;
	_ =	strace $0x80000049;
	[dreg:$0x1] =	wrdreg $0xFFFFFFFF  }
0xa7: {  	s28 =	simm.s32 $_size_execute0_lowered;
	s2 =	sadd.s32 s2, s4;
	[dreg:$0x0] =	wrdreg $0x0  }
0xa8: {  	s4 =	sshll.u32 s28, $0x1;
	[dreg:$0x2] =	wrdreg s2  }
0xa9: {  	[dreg:$0x3] =	wrdreg s4  }
0xaa: {  	[dreg:$0x4] =	wrdreg $0xC0  }
0xab: {  	_ =	task [dreg:s6], $0x5FFFF  }
0xac: {  	[dreg:$0x1] =	wrdreg $0xFFFFFFFF  }
0xad: {  	[dreg:$0x0] =	wrdreg $0x60  }
0xae: {  	[dreg:$0x2] =	wrdreg s24  }
0xaf: {  	[dreg:$0x3] =	wrdreg $0x0  }
0xb0: {  	[dreg:$0x4] =	wrdreg $0x9  }
0xb1: {  	_ =	task.clear_ibuf [dreg:s6], $0x5FFFF;
	_ =	strace $0x90000049  }
0xb2: {  	s29 =	simm.s32 $0x9;
	_ =	strace $0x8000004B  }
0xb3: {  	_ =	swait.ge [sflag:s29], $0x1  }
0xb4: {  	[sflag:s29] =	ssyncadd.s32 $0xFFFFFFFF  }
0xb5: {  	_ =	strace $0x9000004B  }
0xb6: {  	_ =	sfence  }
0xb7: {  	s30 =	sld [smem:$0x0];
	_ =	sdelay $0x2  }
0xb8: {  	s31 =	sshll.u32 s1, $0xD;
	s1 =	sshrl.u32 s1, $0x2  }
0xb9: {  	s3 =	sand.u32 $0x4000, s31;
	s1 =	sadd.s32 s1, s30  }
0xba: {  	s0 =	sor.u32 s3, s0;
	s1 =	sshll.u32 s1, $0x11  }
0xbb: {  	s0 =	sor.u32 s1, s0  }
0xbc: {  	s0 =	sadd.s32 $0x8F2B, s0  }
0xbd: {  	[sflag:s0] =	ssyncadd.remote.s32 $0x1  }
0xbe: {  	_ =	sfence.sel $0xFFFF  }
0xbf: {  	[dreg:$0x0] =	wrdreg $0xFFFFFFFF;
	(pc) =	sbr.abs _section_cstart, $3  }
0xc0: {  	[dreg:$0x1] =	wrdreg $0xFFFFFFFF  }
0xc1: {  	_ =	task.clear_ibuf [dreg:s6], $0x2FFFF;
	_ =	strace $0x9FFFFFFF  }
0xc2: {  	(tm) =	ssettm $0x7FFFFFFF  }
0xc3: {  	_ =	shalt  }
tec
execute0_lowered:
.L_overlay_start_1:
0x0: {  	(tag) =	ssettag $0x1  }
0x1: {  	s0 =	rddreg [dreg:$0x0]  }
0x2: {  	s1 =	rddreg [dreg:$0x1]  }
0x3: {  	s3 =	simm.s32 $0x0;
	s14 =	stileid.u32;
	s7 =	srdreg.scid  }
0x4: {  	s16 =	simm.s32 $0x5;
	s17 =	simm.s32 $0x14000;
	s18 =	simm.s32 $0x15040  }
0x5: {  	s19 =	simm.s32 $0x64;
	s20 =	simm.s32 $0x16080;
	s21 =	simm.s32 $0x1  }
0x6: {  	s22 =	simm.s32 $0x14068;
	s23 =	simm.s32 $0x19280;
	s24 =	simm.s32 $0x2  }
0x7: {  	s25 =	simm.s32 $0x3;
	s28 =	simm.s32 $0x150A8;
	s29 =	simm.s32 $0x4  }
0x8: {  	s30 =	simm.s32 $0x0;
	[smem:$0x7FF] =	sst s3;
	s4 =	sadd.s32 $0x81E00, s0  }
0x9: {  	s2 =	smul.u32 $0x14000, s14;
	s5 =	sadd.s32 $0x5AC00, s0;
	s6 =	sadd.s32 $0x29600, s0  }
0xa: {  	s9 =	sand.u32 $0x1, s7;
	s7 =	sadd.s32 $0x1F200, s0;
	s10 =	sadd.s32 $0xD1000, s0  }
0xb: {  	s31 =	sshll.u32 s14, $0x6;
	_ =	strace $0x8000004A;
	s11 =	ssub.s32 $0x2, s9  }
.Ltmp0:
0xc: {  	[dreg:$0x3] =	wrdreg s10;
	s10 =	sadd.s32 $0xF9000, s0;
	(pc) =	sbr.rel .LBB2_1-.Ltmp0, $4  }
0xd: {  	p0 =	sne.s32 s9, $0x0;
	s8 =	sshrl.u32 s2, $0x3;
	s13 =	sshrl.u32 s11, $0x1  }
0xe: {  	s2 =	sadd.s32 s2, s1;
	s12 =	sadd.s32 s8, s0;
	s26 =	ssub.s32 s11, s13  }
0xf: {  	s13 =	smul.u32 $0x5140, s14;
	s15 =	sshrl.u32 s2, $0x3;
	s11 =	sadd.s32 $0xA9000, s12  }
0x10: {  	s12 =	sor.u32 $0x1C05, s31;
	s14 =	smax.u32 s26, $0x1;
	s26 =	simm.s32 $0x140D0  }
.LBB2_11:
0x11: {  	s0 =	smov.u32 s10  }
.LBB2_12:
0x12: {  	s30 =	sadd.s32 $0x1, s30  }
0x13: {  	p1 =	sne.s32 s30, s14  }
.Ltmp1:
0x14: {  	s0 =	sadd.s32 s0, s8;
	[bflag:$0x0] =	sbarrier.arrive $0xFFFF;
	(pc) =	sbr.rel @!p1 .LBB2_13-.Ltmp1, $4  }
0x15: {  	[hbm:s0], [sflag:s12] =	dma.local [spmem:s15], $0x2800  }
0x16: {  	_ =	swait.ge [sflag:s16], $0x2800  }
0x17: {  	[sflag:s16] =	ssyncset.done $0x0  }
0x18: {  	[sflag:s16] =	ssyncadd.s32 $0xFFFFD800  }
.LBB2_1:
0x19: {  	[spmem:s15], [sflag:s12] =	dma.local [hbm:s11], $0x2800  }
.Ltmp2:
0x1a: {  	_ =	swait.ge [sflag:s16], $0x2800;
	(pc) =	sbr.rel @p0 .LBB2_7-.Ltmp2, $4  }
.Ltmp3:
0x1b: {  	[sflag:s16] =	ssyncset.done $0x0;
	(pc) =	sbr.rel @!p0 .LBB2_2-.Ltmp3, $4  }
0x1c: {  	[sflag:s16] =	ssyncadd.s32 $0xFFFFD800  }
0x1d: {  	[bflag:$0x0] =	sbarrier.arrive $0xFFFF  }
0x1e: {  	s31 =	simm.s32 $0x0;
	s0 =	simm.s32 $0x0  }
0x1f: {  	_ = 	snop  }
.LBB2_5:
0x20: {  	s31 =	sadd.s32 $0x1, s31  }
0x21: {  	p1 =	seq.s32 s31, $0x5  }
.Ltmp4:
0x22: {  	_ = 	snop;
	(pc) =	sbr.rel @p1 .LBB2_6-.Ltmp4, $4  }
0x23: {  	[spmem:s1] =	stream.indirect.scatter.add.f32 [tilespmem:s23], [sflag:$0x4], $0x80, s9, s19, $0xb8;
	[tilespmem:$0x1C480] =	vst v63  }
0x24: {  	_ =	swait.ge [sflag:s29], $0x3200  }
0x25: {  	[sflag:s29] =	ssyncset.done $0x0  }
0x26: {  	[sflag:s29] =	ssyncadd.s32 $0xFFFFCE00  }
.LBB2_2:
0x27: {  	s0 =	smul.u32 $0x1040, s31;
	_ =	sdelay $0x1  }
0x28: {  	s0 =	sadd.s32 s13, s0  }
0x29: {  	s0 =	sshrl.u32 s0, $0x3  }
0x2a: {  	s2 =	sadd.s32 s6, s0  }
0x2b: {  	[tilespmem:s17], [sflag:$0x5] =	stream.linear.gather [hbm4b:s2+s3], $0x1040, $0x38;
	[tilespmem:$0x1C480] =	vst v63  }
0x2c: {  	_ =	swait.ge [sflag:s16], $0x1040  }
0x2d: {  	[sflag:s16] =	ssyncset.done $0x0  }
0x2e: {  	s0 =	sadd.s32 s7, s0;
	[sflag:s16] =	ssyncadd.s32 $0xFFFFEFC0  }
0x2f: {  	[tilespmem:s18], [sflag:$0x5] =	stream.linear.gather [hbm4b:s0+s3], $0x1040, $0x38;
	[tilespmem:$0x1C480] =	vst v63  }
0x30: {  	_ =	swait.ge [sflag:s16], $0x1040  }
0x31: {  	[sflag:s16] =	ssyncset.done $0x0  }
0x32: {  	[sflag:s16] =	ssyncadd.s32 $0xFFFFEFC0  }
0x33: {  	[tilespmem:s20], [sflag:$0x1] =	stream.indirect.gather [hbm4b:s4+s19], $0x80, s17, s19, $0xb8;
	[tilespmem:$0x1C480] =	vst v63  }
0x34: {  	_ =	swait.ge [sflag:s21], $0x3200  }
0x35: {  	[sflag:s21] =	ssyncset.done $0x0  }
0x36: {  	[sflag:s21] =	ssyncadd.s32 $0xFFFFCE00  }
0x37: {  	[tilespmem:s23], [sflag:$0x2] =	stream.indirect.gather [hbm4b:s4+s19], $0x80, s22, s19, $0xb8;
	[tilespmem:$0x1C480] =	vst v63  }
0x38: {  	_ = 	snop  }
0x39: {  	[spmem:s1] =	stream.indirect.scatter.add.f32 [tilespmem:s20], [sflag:$0x3], $0x80, s18, s19, $0xb8;
	[tilespmem:$0x1C480] =	vst v63  }
0x3a: {  	_ =	swait.ge [sflag:s24], $0x3200  }
0x3b: {  	[sflag:s24] =	ssyncset.done $0x0  }
0x3c: {  	[sflag:s24] =	ssyncadd.s32 $0xFFFFCE00  }
0x3d: {  	_ =	swait.ge [sflag:s25], $0x3200  }
0x3e: {  	[sflag:s25] =	ssyncset.done $0x0  }
0x3f: {  	[sflag:s25] =	ssyncadd.s32 $0xFFFFCE00  }
0x40: {  	[tilespmem:s20], [sflag:$0x1] =	stream.indirect.gather [hbm4b:s4+s19], $0x80, s26, s19, $0xb8;
	[tilespmem:$0x1C480] =	vst v63  }
0x41: {  	s0 =	simm.s32 $0xFFFFC580  }
0x42: {  	[spmem:s1] =	stream.indirect.scatter.add.f32 [tilespmem:s23], [sflag:$0x4], $0x80, s28, s19, $0xb8;
	[tilespmem:$0x1C480] =	vst v63  }
.LBB2_3:
0x43: {  	_ =	swait.ge [sflag:s21], $0x3200  }
0x44: {  	[sflag:s21] =	ssyncset.done $0x0  }
0x45: {  	[sflag:s21] =	ssyncadd.s32 $0xFFFFCE00  }
0x46: {  	_ =	swait.ge [sflag:s29], $0x3200  }
0x47: {  	s2 =	sshra.s32 s0, $0x2;
	[sflag:s29] =	ssyncset.done $0x0  }
0x48: {  	s9 =	sadd.s32 $0x14FD8, s2;
	[sflag:s29] =	ssyncadd.s32 $0xFFFFCE00  }
0x49: {  	[tilespmem:s23], [sflag:$0x2] =	stream.indirect.gather [hbm4b:s4+s19], $0x80, s9, s19, $0xb8;
	[tilespmem:$0x1C480] =	vst v63  }
0x4a: {  	s9 =	sadd.s32 $0x15FB0, s2  }
0x4b: {  	[spmem:s1] =	stream.indirect.scatter.add.f32 [tilespmem:s20], [sflag:$0x3], $0x80, s9, s19, $0xb8;
	[tilespmem:$0x1C480] =	vst v63  }
0x4c: {  	p1 =	seq.s32 s0, $0x0;
	_ =	swait.ge [sflag:s24], $0x3200  }
.Ltmp5:
0x4d: {  	[sflag:s24] =	ssyncset.done $0x0;
	(pc) =	sbr.rel @p1 .LBB2_5-.Ltmp5, $4  }
0x4e: {  	[sflag:s24] =	ssyncadd.s32 $0xFFFFCE00  }
0x4f: {  	_ =	swait.ge [sflag:s25], $0x3200  }
0x50: {  	[sflag:s25] =	ssyncset.done $0x0  }
0x51: {  	s9 =	sadd.s32 $0x16018, s2;
	[sflag:s25] =	ssyncadd.s32 $0xFFFFCE00  }
.Ltmp6:
0x52: {  	(pc) =	sbr.rel .LBB2_3-.Ltmp6, $4  }
0x53: {  	s2 =	sadd.s32 $0x15040, s2  }
0x54: {  	[tilespmem:s20], [sflag:$0x1] =	stream.indirect.gather [hbm4b:s4+s19], $0x80, s2, s19, $0xb8;
	[tilespmem:$0x1C480] =	vst v63  }
0x55: {  	s0 =	sadd.s32 $0x340, s0  }
0x56: {  	[spmem:s1] =	stream.indirect.scatter.add.f32 [tilespmem:s23], [sflag:$0x4], $0x80, s9, s19, $0xb8;
	[tilespmem:$0x1C480] =	vst v63  }
.LBB2_10:
0x57: {  	s0 =	sadd.s32 $0x1, s0  }
0x58: {  	p1 =	sne.s32 s0, $0x5  }
.Ltmp7:
0x59: {  	_ = 	snop;
	(pc) =	sbr.rel @!p1 .LBB2_11-.Ltmp7, $4  }
0x5a: {  	[spmem:s1] =	stream.indirect.scatter.add.f32 [tilespmem:s23], [sflag:$0x4], $0x80, s9, s19, $0xb8;
	[tilespmem:$0x1C480] =	vst v63  }
0x5b: {  	_ =	swait.ge [sflag:s29], $0x3200  }
0x5c: {  	[sflag:s29] =	ssyncset.done $0x0  }
0x5d: {  	[sflag:s29] =	ssyncadd.s32 $0xFFFFCE00  }
.LBB2_7:
0x5e: {  	s2 =	smul.u32 $0x1040, s0;
	_ =	sdelay $0x1  }
0x5f: {  	s2 =	sadd.s32 s13, s2  }
0x60: {  	s2 =	sshrl.u32 s2, $0x3  }
0x61: {  	s9 =	sadd.s32 s6, s2  }
0x62: {  	[tilespmem:s17], [sflag:$0x5] =	stream.linear.gather [hbm4b:s9+s3], $0x1040, $0x38;
	[tilespmem:$0x1C480] =	vst v63  }
0x63: {  	_ =	swait.ge [sflag:s16], $0x1040  }
0x64: {  	[sflag:s16] =	ssyncset.done $0x0  }
0x65: {  	s2 =	sadd.s32 s7, s2;
	[sflag:s16] =	ssyncadd.s32 $0xFFFFEFC0  }
0x66: {  	[tilespmem:s18], [sflag:$0x5] =	stream.linear.gather [hbm4b:s2+s3], $0x1040, $0x38;
	[tilespmem:$0x1C480] =	vst v63  }
0x67: {  	_ =	swait.ge [sflag:s16], $0x1040  }
0x68: {  	[sflag:s16] =	ssyncset.done $0x0  }
0x69: {  	[sflag:s16] =	ssyncadd.s32 $0xFFFFEFC0  }
0x6a: {  	[tilespmem:s20], [sflag:$0x1] =	stream.indirect.gather [hbm4b:s5+s19], $0x80, s17, s19, $0xb8;
	[tilespmem:$0x1C480] =	vst v63  }
0x6b: {  	_ =	swait.ge [sflag:s21], $0x3200  }
0x6c: {  	[sflag:s21] =	ssyncset.done $0x0  }
0x6d: {  	[sflag:s21] =	ssyncadd.s32 $0xFFFFCE00  }
0x6e: {  	[tilespmem:s23], [sflag:$0x2] =	stream.indirect.gather [hbm4b:s5+s19], $0x80, s22, s19, $0xb8;
	[tilespmem:$0x1C480] =	vst v63  }
0x6f: {  	_ = 	snop  }
0x70: {  	[spmem:s1] =	stream.indirect.scatter.add.f32 [tilespmem:s20], [sflag:$0x3], $0x80, s18, s19, $0xb8;
	[tilespmem:$0x1C480] =	vst v63  }
0x71: {  	_ =	swait.ge [sflag:s24], $0x3200  }
0x72: {  	[sflag:s24] =	ssyncset.done $0x0  }
0x73: {  	[sflag:s24] =	ssyncadd.s32 $0xFFFFCE00  }
0x74: {  	_ =	swait.ge [sflag:s25], $0x3200  }
0x75: {  	[sflag:s25] =	ssyncset.done $0x0  }
0x76: {  	[sflag:s25] =	ssyncadd.s32 $0xFFFFCE00  }
0x77: {  	[tilespmem:s20], [sflag:$0x1] =	stream.indirect.gather [hbm4b:s5+s19], $0x80, s26, s19, $0xb8;
	[tilespmem:$0x1C480] =	vst v63  }
0x78: {  	s31 =	simm.s32 $0xFFFFC580  }
0x79: {  	[spmem:s1] =	stream.indirect.scatter.add.f32 [tilespmem:s23], [sflag:$0x4], $0x80, s28, s19, $0xb8;
	[tilespmem:$0x1C480] =	vst v63  }
.LBB2_8:
0x7a: {  	_ =	swait.ge [sflag:s21], $0x3200  }
0x7b: {  	[sflag:s21] =	ssyncset.done $0x0  }
0x7c: {  	[sflag:s21] =	ssyncadd.s32 $0xFFFFCE00  }
0x7d: {  	_ =	swait.ge [sflag:s29], $0x3200  }
0x7e: {  	s2 =	sshra.s32 s31, $0x2;
	[sflag:s29] =	ssyncset.done $0x0  }
0x7f: {  	s9 =	sadd.s32 $0x14FD8, s2;
	[sflag:s29] =	ssyncadd.s32 $0xFFFFCE00  }
0x80: {  	[tilespmem:s23], [sflag:$0x2] =	stream.indirect.gather [hbm4b:s5+s19], $0x80, s9, s19, $0xb8;
	[tilespmem:$0x1C480] =	vst v63  }
0x81: {  	s9 =	sadd.s32 $0x15FB0, s2  }
0x82: {  	[spmem:s1] =	stream.indirect.scatter.add.f32 [tilespmem:s20], [sflag:$0x3], $0x80, s9, s19, $0xb8;
	[tilespmem:$0x1C480] =	vst v63  }
0x83: {  	p1 =	seq.s32 s31, $0x0;
	_ =	swait.ge [sflag:s24], $0x3200  }
.Ltmp8:
0x84: {  	[sflag:s24] =	ssyncset.done $0x0;
	(pc) =	sbr.rel @p1 .LBB2_10-.Ltmp8, $4  }
0x85: {  	[sflag:s24] =	ssyncadd.s32 $0xFFFFCE00  }
0x86: {  	_ =	swait.ge [sflag:s25], $0x3200  }
0x87: {  	[sflag:s25] =	ssyncset.done $0x0  }
0x88: {  	s9 =	sadd.s32 $0x16018, s2;
	[sflag:s25] =	ssyncadd.s32 $0xFFFFCE00  }
.Ltmp9:
0x89: {  	(pc) =	sbr.rel .LBB2_8-.Ltmp9, $4  }
0x8a: {  	s2 =	sadd.s32 $0x15040, s2  }
0x8b: {  	[tilespmem:s20], [sflag:$0x1] =	stream.indirect.gather [hbm4b:s5+s19], $0x80, s2, s19, $0xb8;
	[tilespmem:$0x1C480] =	vst v63  }
0x8c: {  	s31 =	sadd.s32 $0x340, s31  }
0x8d: {  	[spmem:s1] =	stream.indirect.scatter.add.f32 [tilespmem:s23], [sflag:$0x4], $0x80, s9, s19, $0xb8;
	[tilespmem:$0x1C480] =	vst v63  }
.LBB2_6:
.Ltmp10:
0x8e: {  	(pc) =	sbr.rel .LBB2_12-.Ltmp10, $2  }
0x8f: {  	_ =	sdelay $0x2  }
0x90: {  	s0 =	rddreg [dreg:$0x3]  }
.LBB2_13:
0x91: {  	_ =	sfence.sel $0x180000  }
0x92: {  	[bflag:$0x0] =	sbarrier.arrive $0xFFFF  }
0x93: {  	_ =	strace $0x9000004A  }
0x94: {  	s0 =	stileid.u32;
	[bflag:$0x2] =	sbarrier.arrive $0xFFFF  }
0x95: {  	p0 =	sne.s32 s0, $0x0;
	s0 =	rddreg [dreg:$0x2]  }
0x96: {  	s0 =	sadd.s32 @!p0 $0x100000, s0  }
0x97: {  	[sflag:s0] =	ssyncadd.tile.s32 @!p0 $0x1;
	_ =	shalt  }
.Lfunc_end2:
_tile_overlayer_lowered:
.L_overlay_start_2:
0x98: {  	(tag) =	ssettag $0x2  }
0x99: {  	s0 =	rddreg [dreg:$0x0];
	s2 =	stileid.u32  }
0x9a: {  	s1 =	rddreg [dreg:$0x1];
	p0 =	sne.s32 s2, $0x0  }
0x9b: {  	s3 =	rddreg [dreg:$0x2];
	[bflag:$0x3] =	sbarrier.arrive $0xFFFF;
	s2 =	simm.s32 @!p0 $0x1C05  }
0x9c: {  	[timem:s3], [sflag:s2] =	dma.local @!p0 [hbm:s0], s1  }
0x9d: {  	s0 =	simm.s32 @!p0 $0x5  }
0x9e: {  	_ =	swait.ge @!p0 [sflag:s0], s1  }
0x9f: {  	s1 =	ssub.s32 @!p0 $0x0, s1;
	[sflag:s0] =	ssyncset.done @!p0 $0x0  }
0xa0: {  	[sflag:s0] =	ssyncadd.s32 @!p0 s1  }
0xa1: {  	[bflag:$0x3] =	sbarrier.arrive $0xFFFF  }
0xa2: {  	_ =	shalt  }

// kernel: kernel.14.cloned.1.call-start
scs
__scs_entry_jumppad:
0x0: {  	(pc) =	sbr.rel $0x88, $3  }
0x1: {  	(tag) =	ssettag $0x0;
	lr =	simm.s32 $0x1  }
0x2: {  	[smem:$0x3F9B] =	sst lr;
	_ =	strace $0xD0000000  }
0x3: {  	_ = 	snop  }
0x4: {  	_ = 	snop  }
0x5: {  	_ = 	snop  }
0x6: {  	_ = 	snop  }
0x7: {  	_ = 	snop  }
__scs_overlays_trampoline_lowered:
0x8: {  	[smem:$0x3FAA] =	sst s0  }
0x9: {  	[smem:$0x3FAB] =	sst s1  }
0xa: {  	[smem:$0x3FAC] =	sst s2  }
0xb: {  	[smem:$0x3FAD] =	sst s3  }
0xc: {  	[smem:$0x3FAE] =	sst s4  }
0xd: {  	[smem:$0x3FAF] =	sst s5  }
0xe: {  	[smem:$0x3FB0] =	sst s6  }
0xf: {  	[smem:$0x3FB1] =	sst s7  }
0x10: {  	[smem:$0x3FB2] =	sst s8  }
0x11: {  	[smem:$0x3FB3] =	sst s9;
	s0 =	simm.s32 @!p0 $0x0  }
0x12: {  	s1 =	sld [smem:$0x3F99];
	s0 =	simm.s32 @p0 $0x1  }
0x13: {  	[smem:$0x3FB4] =	sst s0;
	s0 =	simm.s32 @!p1 $0x0  }
0x14: {  	s2 =	sld [smem:$0x3F98];
	s0 =	simm.s32 @p1 $0x1  }
0x15: {  	[smem:$0x3FB5] =	sst s0;
	s0 =	simm.s32 @!p2 $0x0  }
0x16: {  	s3 =	sld [smem:$0x3FDB];
	s0 =	simm.s32 @p2 $0x1  }
0x17: {  	s4 =	simm.s32 $0x1BF5;
	[smem:$0x3FB7] =	sst s0  }
0x18: {  	s0 =	sld [smem:$0x3F9A];
	_ =	swait.ge [sflag:s4], $0x0  }
0x19: {  	s7 =	sld [smem:$0x3F9B]  }
0x1a: {  	s8 =	sadd.s32 $0xFFFFE003, lr  }
0x1b: {  	s9 =	sadd.s32 $0xFFFFFEF7, lr;
	s5 =	simm.s32 $0xFFFFFFFF;
	p2 =	slt.u32 s8, $0xFFFFF086  }
0x1c: {  	p1 =	slt.u32 s9, $0xF7A;
	s5 =	simm.s32 @!p2 $0x0  }
0x1d: {  	s5 =	simm.s32 @p1 $0x1;
	p0 =	seq.s32 s7, s2  }
0x1e: {  	s7 =	smul.u32 @!p0 $0xF7A, s2;
	p2 =	seq.s32 @!p0 s5, $0x0  }
0x1f: {  	s9 =	smul.u32 $0xF7A, s1;
	s8 =	simm.s32 @!p0 $0x1BF5;
	p2 =	por !p2, p0  }
0x20: {  	[sflag:s8] =	ssyncset.s32 @!p0 $0xFFFFF086;
	s6 =	sadd.s32 @!p0 s3, s7;
	s7 =	simm.s32 @!p0 $0x108  }
0x21: {  	s3 =	sadd.s32 s3, s9;
	s6 =	sadd.s32 @!p0 $0x88, s6;
	s7 =	simm.s32 @p2 $0x1082  }
0x22: {  	[simem:s7], [sflag:s8] =	dma.local @!p0 [hbm:s6], $0xF7A  }
0x23: {  	s9 =	sor.u32 $0xD0000000, s2;
	s6 =	simm.s32 $0x108;
	_ =	swait.ge @!p0 [sflag:s8], $0x0  }
0x24: {  	s3 =	sadd.s32 $0x88, s3;
	s6 =	simm.s32 @!p1 $0x1082;
	[sflag:s4] =	ssyncset.s32 $0xFFFFF086  }
0x25: {  	[simem:s6], [sflag:s4] =	dma.local [hbm:s3], $0xF7A  }
0x26: {  	[smem:$0x3F9B] =	sst s1;
	(tag) =	ssettag s2;
	_ =	strace s9  }
0x27: {  	s1 =	sld [smem:$0x3FAB]  }
0x28: {  	s2 =	sld [smem:$0x3FAC]  }
0x29: {  	s4 =	sld [smem:$0x3FAE]  }
0x2a: {  	p0 =	seq.s32 s5, $0x0;
	s5 =	sld [smem:$0x3FAF]  }
0x2b: {  	s6 =	sld [smem:$0x3FB0]  }
0x2c: {  	s7 =	sld [smem:$0x3FB1]  }
0x2d: {  	s3 =	simm.s32 $0x108;
	s8 =	sld [smem:$0x3FB2]  }
0x2e: {  	s3 =	simm.s32 @!p0 $0x1082;
	s9 =	sld [smem:$0x3FB3]  }
0x2f: {  	lr =	sadd.s32 s0, s3;
	s0 =	sld [smem:$0x3FAA]  }
0x30: {  	s3 =	sld [smem:$0x3FAD]  }
0x31: {  	[smem:$0x3FB6] =	sst s10  }
0x32: {  	s10 =	sld [smem:$0x3FB4];
	_ =	sdelay $0x3  }
0x33: {  	p0 =	seq.s32 s10, $0x1;
	s10 =	sld [smem:$0x3FB6];
	_ =	sdelay $0x3  }
0x34: {  	[smem:$0x3FB6] =	sst s10  }
0x35: {  	s10 =	sld [smem:$0x3FB5];
	_ =	sdelay $0x3  }
0x36: {  	p1 =	seq.s32 s10, $0x1;
	s10 =	sld [smem:$0x3FB6];
	_ =	sdelay $0x3  }
0x37: {  	[smem:$0x3FB6] =	sst s10  }
0x38: {  	s10 =	sld [smem:$0x3FB7]  }
0x39: {  	_ = 	snop;
	(pc) =	sbr.ind lr, $3  }
0x3a: {  	_ = 	snop  }
0x3b: {  	_ = 	snop  }
0x3c: {  	p2 =	seq.s32 s10, $0x1;
	s10 =	sld [smem:$0x3FB6]  }
0x3d: {  	_ =	shalt  }
0x3e: {  	_ =	shalt  }
0x3f: {  	_ =	shalt  }
0x40: {  	_ =	shalt  }
0x41: {  	_ =	shalt  }
0x42: {  	_ =	shalt  }
0x43: {  	_ =	shalt  }
0x44: {  	_ =	shalt  }
0x45: {  	_ =	shalt  }
0x46: {  	_ =	shalt  }
0x47: {  	_ =	shalt  }
0x48: {  	_ =	shalt  }
0x49: {  	_ =	shalt  }
0x4a: {  	_ =	shalt  }
0x4b: {  	_ =	shalt  }
0x4c: {  	_ =	shalt  }
0x4d: {  	_ =	shalt  }
0x4e: {  	_ =	shalt  }
0x4f: {  	_ =	shalt  }
0x50: {  	_ =	shalt  }
0x51: {  	_ =	shalt  }
0x52: {  	_ =	shalt  }
0x53: {  	_ =	shalt  }
0x54: {  	_ =	shalt  }
0x55: {  	_ =	shalt  }
0x56: {  	_ =	shalt  }
0x57: {  	_ =	shalt  }
0x58: {  	_ =	shalt  }
0x59: {  	_ =	shalt  }
0x5a: {  	_ =	shalt  }
0x5b: {  	_ =	shalt  }
0x5c: {  	_ =	shalt  }
0x5d: {  	_ =	shalt  }
0x5e: {  	_ =	shalt  }
0x5f: {  	_ =	shalt  }
0x60: {  	_ =	shalt  }
0x61: {  	_ =	shalt  }
0x62: {  	_ =	shalt  }
0x63: {  	_ =	shalt  }
0x64: {  	_ =	shalt  }
0x65: {  	_ =	shalt  }
0x66: {  	_ =	shalt  }
0x67: {  	_ =	shalt  }
0x68: {  	_ =	shalt  }
0x69: {  	_ =	shalt  }
0x6a: {  	_ =	shalt  }
0x6b: {  	_ =	shalt  }
0x6c: {  	_ =	shalt  }
0x6d: {  	_ =	shalt  }
0x6e: {  	_ =	shalt  }
0x6f: {  	_ =	shalt  }
0x70: {  	_ =	shalt  }
0x71: {  	_ =	shalt  }
0x72: {  	_ =	shalt  }
0x73: {  	_ =	shalt  }
0x74: {  	_ =	shalt  }
0x75: {  	_ =	shalt  }
0x76: {  	_ =	shalt  }
0x77: {  	_ =	shalt  }
0x78: {  	_ =	shalt  }
0x79: {  	_ =	shalt  }
0x7a: {  	_ =	shalt  }
0x7b: {  	_ =	shalt  }
0x7c: {  	_ =	shalt  }
0x7d: {  	_ =	shalt  }
0x7e: {  	_ =	shalt  }
0x7f: {  	_ =	shalt  }
0x80: {  	_ =	shalt  }
0x81: {  	_ =	shalt  }
0x82: {  	_ =	shalt  }
0x83: {  	_ =	shalt  }
0x84: {  	_ =	shalt  }
0x85: {  	_ =	shalt  }
0x86: {  	_ =	shalt  }
0x87: {  	_ =	shalt  }
.Lfunc_end0:
.L_simem_size_0:
called_computation.2_lowered:
.L_overlay_start_0:
0x88: {  	s2 =	sld [smem:$0x3FD9]  }
0x89: {  	s3 =	sld [smem:$0x3FFE];
	_ =	sdelay $0x1  }
0x8a: {  	s1 =	srdreg.scid  }
0x8b: {  	s0 =	sand.u32 $0x1, s1  }
0x8c: {  	s16 =	sshll.u32 s0, $0xA;
	s2 =	sadd.s32 s3, s2  }
0x8d: {  	s2 =	sadd.s32 s2, s16  }
0x8e: {  	[smem:$0x3FC2] =	sst s2  }
0x8f: {  	_ = 	snop  }
0x90: {  	(tm) =	ssettm $0x1  }
0x91: {  	s17 =	sld [smem:$0x3FFB];
	_ =	sdelay $0x3  }
0x92: {  	_ =	strace s17  }
0x93: {  	s2 =	sld [smem:$0x3FFC];
	_ =	sdelay $0x3  }
0x94: {  	_ =	strace s2  }
0x95: {  	s2 =	sld [smem:$0x3FFD];
	_ =	sdelay $0x3  }
0x96: {  	_ =	strace s2  }
0x97: {  	_ =	strace $0x8FFFFFFF  }
0x98: {  	s18 =	sld [smem:$0x3FDB];
	_ =	sdelay $0x1  }
0x99: {  	s19 =	simm.s32 $_scs_section_size  }
0x9a: {  	s4 =	simm.s32 $_size__tile_overlayer_lowered;
	s5 =	simm.s32 $_tile_overlayer_lowered  }
0x9b: {  	s22 =	simm.s32 $0x1BFF;
	s21 =	sshll.u32 s5, $0x1;
	s2 =	sadd.s32 s19, s18  }
0x9c: {  	s6 =	simm.s32 $0x0;
	s20 =	sshll.u32 s4, $0x1;
	s4 =	sadd.s32 s21, s2  }
0x9d: {  	[timem:s6], [sflag:s22] =	dma.local [hbm:s4], s20  }
0x9e: {  	_ =	swait.ge [sflag:s22], s20  }
0x9f: {  	s3 =	ssub.s32 $0x0, s20;
	[sflag:s22] =	ssyncset.done $0x0  }
0xa0: {  	[sflag:s22] =	ssyncadd.s32 s3;
	_ =	sdelay $0x1  }
0xa1: {  	s23 =	simm.s32 $0x1B8B  }
0xa2: {  	_ =	swait.ge [sflag:s23], $0x1  }
0xa3: {  	[sflag:s23] =	ssyncset.done $0x0  }
0xa4: {  	s25 =	simm.s32 $0x1B8E;
	s24 =	sld [smem:$0x3FFE];
	[sflag:s23] =	ssyncadd.s32 $0xFFFFFFFF  }
0xa5: {  	s26 =	simm.s32 $execute0_lowered;
	[smem:$0x3FD2] =	sst s25  }
0xa6: {  	s4 =	sshll.u32 s26, $0x1;
	_ =	strace $0x8000004C;
	[dreg:$0x1] =	wrdreg $0xFFFFFFFF  }
0xa7: {  	s28 =	simm.s32 $_size_execute0_lowered;
	s2 =	sadd.s32 s2, s4;
	[dreg:$0x0] =	wrdreg $0x0  }
0xa8: {  	s4 =	sshll.u32 s28, $0x1;
	[dreg:$0x2] =	wrdreg s2  }
0xa9: {  	[dreg:$0x3] =	wrdreg s4  }
0xaa: {  	[dreg:$0x4] =	wrdreg $0xC0  }
0xab: {  	_ =	task [dreg:s6], $0x5FFFF  }
0xac: {  	[dreg:$0x1] =	wrdreg $0xFFFFFFFF  }
0xad: {  	[dreg:$0x0] =	wrdreg $0x60  }
0xae: {  	[dreg:$0x2] =	wrdreg s24  }
0xaf: {  	[dreg:$0x3] =	wrdreg $0x0  }
0xb0: {  	[dreg:$0x4] =	wrdreg $0x9  }
0xb1: {  	_ =	task.clear_ibuf [dreg:s6], $0x5FFFF;
	_ =	strace $0x9000004C  }
0xb2: {  	s29 =	simm.s32 $0x9;
	_ =	strace $0x8000004E  }
0xb3: {  	_ =	swait.ge [sflag:s29], $0x1  }
0xb4: {  	[sflag:s29] =	ssyncadd.s32 $0xFFFFFFFF  }
0xb5: {  	_ =	strace $0x9000004E  }
0xb6: {  	_ =	sfence  }
0xb7: {  	s30 =	sld [smem:$0x0];
	_ =	sdelay $0x2  }
0xb8: {  	s31 =	sshll.u32 s1, $0xD;
	s1 =	sshrl.u32 s1, $0x2  }
0xb9: {  	s3 =	sand.u32 $0x4000, s31;
	s1 =	sadd.s32 s1, s30  }
0xba: {  	s0 =	sor.u32 s3, s0;
	s1 =	sshll.u32 s1, $0x11  }
0xbb: {  	s0 =	sor.u32 s1, s0  }
0xbc: {  	s0 =	sadd.s32 $0x8F2B, s0  }
0xbd: {  	[sflag:s0] =	ssyncadd.remote.s32 $0x1  }
0xbe: {  	_ =	sfence.sel $0xFFFF  }
0xbf: {  	[dreg:$0x0] =	wrdreg $0xFFFFFFFF;
	(pc) =	sbr.abs _section_cstart, $3  }
0xc0: {  	[dreg:$0x1] =	wrdreg $0xFFFFFFFF  }
0xc1: {  	_ =	task.clear_ibuf [dreg:s6], $0x2FFFF;
	_ =	strace $0x9FFFFFFF  }
0xc2: {  	(tm) =	ssettm $0x7FFFFFFF  }
0xc3: {  	_ =	shalt  }
tec
execute0_lowered:
.L_overlay_start_1:
0x0: {  	(tag) =	ssettag $0x1  }
0x1: {  	s0 =	rddreg [dreg:$0x0]  }
0x2: {  	s1 =	rddreg [dreg:$0x1]  }
0x3: {  	s3 =	simm.s32 $0x0;
	s14 =	stileid.u32;
	s7 =	srdreg.scid  }
0x4: {  	s16 =	simm.s32 $0x5;
	s17 =	simm.s32 $0xA000;
	s18 =	simm.s32 $0xB040  }
0x5: {  	s19 =	simm.s32 $0x64;
	s20 =	simm.s32 $0xC080;
	s21 =	simm.s32 $0x1  }
0x6: {  	s22 =	simm.s32 $0xA068;
	s23 =	simm.s32 $0xD980;
	s24 =	simm.s32 $0x2  }
0x7: {  	s25 =	simm.s32 $0x3;
	s28 =	simm.s32 $0xB0A8;
	s29 =	simm.s32 $0x4  }
0x8: {  	s30 =	simm.s32 $0x0;
	[smem:$0x7FF] =	sst s3;
	s4 =	sadd.s32 $0x33A00, s0  }
0x9: {  	s2 =	smul.u32 $0xA000, s14;
	s5 =	sadd.s32 $0x3C00, s0;
	s6 =	sadd.s32 $0x29600, s0  }
0xa: {  	s9 =	sand.u32 $0x1, s7;
	s7 =	sadd.s32 $0x1F200, s0;
	s10 =	sadd.s32 $0x5B400, s0  }
0xb: {  	s31 =	sshll.u32 s14, $0x6;
	_ =	strace $0x8000004D;
	s11 =	ssub.s32 $0x2, s9  }
.Ltmp0:
0xc: {  	[dreg:$0x3] =	wrdreg s10;
	s10 =	sadd.s32 $0x6F400, s0;
	(pc) =	sbr.rel .LBB2_1-.Ltmp0, $4  }
0xd: {  	p0 =	sne.s32 s9, $0x0;
	s8 =	sshrl.u32 s2, $0x3;
	s13 =	sshrl.u32 s11, $0x1  }
0xe: {  	s2 =	sadd.s32 s2, s1;
	s12 =	sadd.s32 s8, s0;
	s26 =	ssub.s32 s11, s13  }
0xf: {  	s13 =	smul.u32 $0x5140, s14;
	s15 =	sshrl.u32 s2, $0x3;
	s11 =	sadd.s32 $0x47400, s12  }
0x10: {  	s12 =	sor.u32 $0x1C05, s31;
	s14 =	smax.u32 s26, $0x1;
	s26 =	simm.s32 $0xA0D0  }
.LBB2_11:
0x11: {  	s0 =	smov.u32 s10  }
.LBB2_12:
0x12: {  	s30 =	sadd.s32 $0x1, s30  }
0x13: {  	p1 =	sne.s32 s30, s14  }
.Ltmp1:
0x14: {  	s0 =	sadd.s32 s0, s8;
	[bflag:$0x0] =	sbarrier.arrive $0xFFFF;
	(pc) =	sbr.rel @!p1 .LBB2_13-.Ltmp1, $4  }
0x15: {  	[hbm:s0], [sflag:s12] =	dma.local [spmem:s15], $0x1400  }
0x16: {  	_ =	swait.ge [sflag:s16], $0x1400  }
0x17: {  	[sflag:s16] =	ssyncset.done $0x0  }
0x18: {  	[sflag:s16] =	ssyncadd.s32 $0xFFFFEC00  }
.LBB2_1:
0x19: {  	[spmem:s15], [sflag:s12] =	dma.local [hbm:s11], $0x1400  }
.Ltmp2:
0x1a: {  	_ =	swait.ge [sflag:s16], $0x1400;
	(pc) =	sbr.rel @p0 .LBB2_7-.Ltmp2, $4  }
.Ltmp3:
0x1b: {  	[sflag:s16] =	ssyncset.done $0x0;
	(pc) =	sbr.rel @!p0 .LBB2_2-.Ltmp3, $4  }
0x1c: {  	[sflag:s16] =	ssyncadd.s32 $0xFFFFEC00  }
0x1d: {  	[bflag:$0x0] =	sbarrier.arrive $0xFFFF  }
0x1e: {  	s31 =	simm.s32 $0x0;
	s0 =	simm.s32 $0x0  }
0x1f: {  	_ = 	snop  }
.LBB2_5:
0x20: {  	s31 =	sadd.s32 $0x1, s31  }
0x21: {  	p1 =	seq.s32 s31, $0x5  }
.Ltmp4:
0x22: {  	_ = 	snop;
	(pc) =	sbr.rel @p1 .LBB2_6-.Ltmp4, $4  }
0x23: {  	[spmem:s1] =	stream.indirect.scatter.add.f32 [tilespmem:s23], [sflag:$0x4], $0x40, s9, s19, $0xb8;
	[tilespmem:$0xF280] =	vst v63  }
0x24: {  	_ =	swait.ge [sflag:s29], $0x1900  }
0x25: {  	[sflag:s29] =	ssyncset.done $0x0  }
0x26: {  	[sflag:s29] =	ssyncadd.s32 $0xFFFFE700  }
.LBB2_2:
0x27: {  	s0 =	smul.u32 $0x1040, s31;
	_ =	sdelay $0x1  }
0x28: {  	s0 =	sadd.s32 s13, s0  }
0x29: {  	s0 =	sshrl.u32 s0, $0x3  }
0x2a: {  	s2 =	sadd.s32 s6, s0  }
0x2b: {  	[tilespmem:s17], [sflag:$0x5] =	stream.linear.gather [hbm4b:s2+s3], $0x1040, $0x38;
	[tilespmem:$0xF280] =	vst v63  }
0x2c: {  	_ =	swait.ge [sflag:s16], $0x1040  }
0x2d: {  	[sflag:s16] =	ssyncset.done $0x0  }
0x2e: {  	s0 =	sadd.s32 s7, s0;
	[sflag:s16] =	ssyncadd.s32 $0xFFFFEFC0  }
0x2f: {  	[tilespmem:s18], [sflag:$0x5] =	stream.linear.gather [hbm4b:s0+s3], $0x1040, $0x38;
	[tilespmem:$0xF280] =	vst v63  }
0x30: {  	_ =	swait.ge [sflag:s16], $0x1040  }
0x31: {  	[sflag:s16] =	ssyncset.done $0x0  }
0x32: {  	[sflag:s16] =	ssyncadd.s32 $0xFFFFEFC0  }
0x33: {  	[tilespmem:s20], [sflag:$0x1] =	stream.indirect.gather [hbm4b:s4+s19], $0x40, s17, s19, $0xb8;
	[tilespmem:$0xF280] =	vst v63  }
0x34: {  	_ =	swait.ge [sflag:s21], $0x1900  }
0x35: {  	[sflag:s21] =	ssyncset.done $0x0  }
0x36: {  	[sflag:s21] =	ssyncadd.s32 $0xFFFFE700  }
0x37: {  	[tilespmem:s23], [sflag:$0x2] =	stream.indirect.gather [hbm4b:s4+s19], $0x40, s22, s19, $0xb8;
	[tilespmem:$0xF280] =	vst v63  }
0x38: {  	_ = 	snop  }
0x39: {  	[spmem:s1] =	stream.indirect.scatter.add.f32 [tilespmem:s20], [sflag:$0x3], $0x40, s18, s19, $0xb8;
	[tilespmem:$0xF280] =	vst v63  }
0x3a: {  	_ =	swait.ge [sflag:s24], $0x1900  }
0x3b: {  	[sflag:s24] =	ssyncset.done $0x0  }
0x3c: {  	[sflag:s24] =	ssyncadd.s32 $0xFFFFE700  }
0x3d: {  	_ =	swait.ge [sflag:s25], $0x1900  }
0x3e: {  	[sflag:s25] =	ssyncset.done $0x0  }
0x3f: {  	[sflag:s25] =	ssyncadd.s32 $0xFFFFE700  }
0x40: {  	[tilespmem:s20], [sflag:$0x1] =	stream.indirect.gather [hbm4b:s4+s19], $0x40, s26, s19, $0xb8;
	[tilespmem:$0xF280] =	vst v63  }
0x41: {  	s0 =	simm.s32 $0xFFFFC580  }
0x42: {  	[spmem:s1] =	stream.indirect.scatter.add.f32 [tilespmem:s23], [sflag:$0x4], $0x40, s28, s19, $0xb8;
	[tilespmem:$0xF280] =	vst v63  }
.LBB2_3:
0x43: {  	_ =	swait.ge [sflag:s21], $0x1900  }
0x44: {  	[sflag:s21] =	ssyncset.done $0x0  }
0x45: {  	[sflag:s21] =	ssyncadd.s32 $0xFFFFE700  }
0x46: {  	_ =	swait.ge [sflag:s29], $0x1900  }
0x47: {  	s2 =	sshra.s32 s0, $0x2;
	[sflag:s29] =	ssyncset.done $0x0  }
0x48: {  	s9 =	sadd.s32 $0xAFD8, s2;
	[sflag:s29] =	ssyncadd.s32 $0xFFFFE700  }
0x49: {  	[tilespmem:s23], [sflag:$0x2] =	stream.indirect.gather [hbm4b:s4+s19], $0x40, s9, s19, $0xb8;
	[tilespmem:$0xF280] =	vst v63  }
0x4a: {  	s9 =	sadd.s32 $0xBFB0, s2  }
0x4b: {  	[spmem:s1] =	stream.indirect.scatter.add.f32 [tilespmem:s20], [sflag:$0x3], $0x40, s9, s19, $0xb8;
	[tilespmem:$0xF280] =	vst v63  }
0x4c: {  	p1 =	seq.s32 s0, $0x0;
	_ =	swait.ge [sflag:s24], $0x1900  }
.Ltmp5:
0x4d: {  	[sflag:s24] =	ssyncset.done $0x0;
	(pc) =	sbr.rel @p1 .LBB2_5-.Ltmp5, $4  }
0x4e: {  	[sflag:s24] =	ssyncadd.s32 $0xFFFFE700  }
0x4f: {  	_ =	swait.ge [sflag:s25], $0x1900  }
0x50: {  	[sflag:s25] =	ssyncset.done $0x0  }
0x51: {  	s9 =	sadd.s32 $0xC018, s2;
	[sflag:s25] =	ssyncadd.s32 $0xFFFFE700  }
.Ltmp6:
0x52: {  	(pc) =	sbr.rel .LBB2_3-.Ltmp6, $4  }
0x53: {  	s2 =	sadd.s32 $0xB040, s2  }
0x54: {  	[tilespmem:s20], [sflag:$0x1] =	stream.indirect.gather [hbm4b:s4+s19], $0x40, s2, s19, $0xb8;
	[tilespmem:$0xF280] =	vst v63  }
0x55: {  	s0 =	sadd.s32 $0x340, s0  }
0x56: {  	[spmem:s1] =	stream.indirect.scatter.add.f32 [tilespmem:s23], [sflag:$0x4], $0x40, s9, s19, $0xb8;
	[tilespmem:$0xF280] =	vst v63  }
.LBB2_10:
0x57: {  	s0 =	sadd.s32 $0x1, s0  }
0x58: {  	p1 =	sne.s32 s0, $0x5  }
.Ltmp7:
0x59: {  	_ = 	snop;
	(pc) =	sbr.rel @!p1 .LBB2_11-.Ltmp7, $4  }
0x5a: {  	[spmem:s1] =	stream.indirect.scatter.add.f32 [tilespmem:s23], [sflag:$0x4], $0x40, s9, s19, $0xb8;
	[tilespmem:$0xF280] =	vst v63  }
0x5b: {  	_ =	swait.ge [sflag:s29], $0x1900  }
0x5c: {  	[sflag:s29] =	ssyncset.done $0x0  }
0x5d: {  	[sflag:s29] =	ssyncadd.s32 $0xFFFFE700  }
.LBB2_7:
0x5e: {  	s2 =	smul.u32 $0x1040, s0;
	_ =	sdelay $0x1  }
0x5f: {  	s2 =	sadd.s32 s13, s2  }
0x60: {  	s2 =	sshrl.u32 s2, $0x3  }
0x61: {  	s9 =	sadd.s32 s6, s2  }
0x62: {  	[tilespmem:s17], [sflag:$0x5] =	stream.linear.gather [hbm4b:s9+s3], $0x1040, $0x38;
	[tilespmem:$0xF280] =	vst v63  }
0x63: {  	_ =	swait.ge [sflag:s16], $0x1040  }
0x64: {  	[sflag:s16] =	ssyncset.done $0x0  }
0x65: {  	s2 =	sadd.s32 s7, s2;
	[sflag:s16] =	ssyncadd.s32 $0xFFFFEFC0  }
0x66: {  	[tilespmem:s18], [sflag:$0x5] =	stream.linear.gather [hbm4b:s2+s3], $0x1040, $0x38;
	[tilespmem:$0xF280] =	vst v63  }
0x67: {  	_ =	swait.ge [sflag:s16], $0x1040  }
0x68: {  	[sflag:s16] =	ssyncset.done $0x0  }
0x69: {  	[sflag:s16] =	ssyncadd.s32 $0xFFFFEFC0  }
0x6a: {  	[tilespmem:s20], [sflag:$0x1] =	stream.indirect.gather [hbm4b:s5+s19], $0x40, s17, s19, $0xb8;
	[tilespmem:$0xF280] =	vst v63  }
0x6b: {  	_ =	swait.ge [sflag:s21], $0x1900  }
0x6c: {  	[sflag:s21] =	ssyncset.done $0x0  }
0x6d: {  	[sflag:s21] =	ssyncadd.s32 $0xFFFFE700  }
0x6e: {  	[tilespmem:s23], [sflag:$0x2] =	stream.indirect.gather [hbm4b:s5+s19], $0x40, s22, s19, $0xb8;
	[tilespmem:$0xF280] =	vst v63  }
0x6f: {  	_ = 	snop  }
0x70: {  	[spmem:s1] =	stream.indirect.scatter.add.f32 [tilespmem:s20], [sflag:$0x3], $0x40, s18, s19, $0xb8;
	[tilespmem:$0xF280] =	vst v63  }
0x71: {  	_ =	swait.ge [sflag:s24], $0x1900  }
0x72: {  	[sflag:s24] =	ssyncset.done $0x0  }
0x73: {  	[sflag:s24] =	ssyncadd.s32 $0xFFFFE700  }
0x74: {  	_ =	swait.ge [sflag:s25], $0x1900  }
0x75: {  	[sflag:s25] =	ssyncset.done $0x0  }
0x76: {  	[sflag:s25] =	ssyncadd.s32 $0xFFFFE700  }
0x77: {  	[tilespmem:s20], [sflag:$0x1] =	stream.indirect.gather [hbm4b:s5+s19], $0x40, s26, s19, $0xb8;
	[tilespmem:$0xF280] =	vst v63  }
0x78: {  	s31 =	simm.s32 $0xFFFFC580  }
0x79: {  	[spmem:s1] =	stream.indirect.scatter.add.f32 [tilespmem:s23], [sflag:$0x4], $0x40, s28, s19, $0xb8;
	[tilespmem:$0xF280] =	vst v63  }
.LBB2_8:
0x7a: {  	_ =	swait.ge [sflag:s21], $0x1900  }
0x7b: {  	[sflag:s21] =	ssyncset.done $0x0  }
0x7c: {  	[sflag:s21] =	ssyncadd.s32 $0xFFFFE700  }
0x7d: {  	_ =	swait.ge [sflag:s29], $0x1900  }
0x7e: {  	s2 =	sshra.s32 s31, $0x2;
	[sflag:s29] =	ssyncset.done $0x0  }
0x7f: {  	s9 =	sadd.s32 $0xAFD8, s2;
	[sflag:s29] =	ssyncadd.s32 $0xFFFFE700  }
0x80: {  	[tilespmem:s23], [sflag:$0x2] =	stream.indirect.gather [hbm4b:s5+s19], $0x40, s9, s19, $0xb8;
	[tilespmem:$0xF280] =	vst v63  }
0x81: {  	s9 =	sadd.s32 $0xBFB0, s2  }
0x82: {  	[spmem:s1] =	stream.indirect.scatter.add.f32 [tilespmem:s20], [sflag:$0x3], $0x40, s9, s19, $0xb8;
	[tilespmem:$0xF280] =	vst v63  }
0x83: {  	p1 =	seq.s32 s31, $0x0;
	_ =	swait.ge [sflag:s24], $0x1900  }
.Ltmp8:
0x84: {  	[sflag:s24] =	ssyncset.done $0x0;
	(pc) =	sbr.rel @p1 .LBB2_10-.Ltmp8, $4  }
0x85: {  	[sflag:s24] =	ssyncadd.s32 $0xFFFFE700  }
0x86: {  	_ =	swait.ge [sflag:s25], $0x1900  }
0x87: {  	[sflag:s25] =	ssyncset.done $0x0  }
0x88: {  	s9 =	sadd.s32 $0xC018, s2;
	[sflag:s25] =	ssyncadd.s32 $0xFFFFE700  }
.Ltmp9:
0x89: {  	(pc) =	sbr.rel .LBB2_8-.Ltmp9, $4  }
0x8a: {  	s2 =	sadd.s32 $0xB040, s2  }
0x8b: {  	[tilespmem:s20], [sflag:$0x1] =	stream.indirect.gather [hbm4b:s5+s19], $0x40, s2, s19, $0xb8;
	[tilespmem:$0xF280] =	vst v63  }
0x8c: {  	s31 =	sadd.s32 $0x340, s31  }
0x8d: {  	[spmem:s1] =	stream.indirect.scatter.add.f32 [tilespmem:s23], [sflag:$0x4], $0x40, s9, s19, $0xb8;
	[tilespmem:$0xF280] =	vst v63  }
.LBB2_6:
.Ltmp10:
0x8e: {  	(pc) =	sbr.rel .LBB2_12-.Ltmp10, $2  }
0x8f: {  	_ =	sdelay $0x2  }
0x90: {  	s0 =	rddreg [dreg:$0x3]  }
.LBB2_13:
0x91: {  	_ =	sfence.sel $0x180000  }
0x92: {  	[bflag:$0x0] =	sbarrier.arrive $0xFFFF  }
0x93: {  	_ =	strace $0x9000004D  }
0x94: {  	s0 =	stileid.u32;
	[bflag:$0x2] =	sbarrier.arrive $0xFFFF  }
0x95: {  	p0 =	sne.s32 s0, $0x0;
	s0 =	rddreg [dreg:$0x2]  }
0x96: {  	s0 =	sadd.s32 @!p0 $0x100000, s0  }
0x97: {  	[sflag:s0] =	ssyncadd.tile.s32 @!p0 $0x1;
	_ =	shalt  }
.Lfunc_end2:
_tile_overlayer_lowered:
.L_overlay_start_2:
0x98: {  	(tag) =	ssettag $0x2  }
0x99: {  	s0 =	rddreg [dreg:$0x0];
	s2 =	stileid.u32  }
0x9a: {  	s1 =	rddreg [dreg:$0x1];
	p0 =	sne.s32 s2, $0x0  }
0x9b: {  	s3 =	rddreg [dreg:$0x2];
	[bflag:$0x3] =	sbarrier.arrive $0xFFFF;
	s2 =	simm.s32 @!p0 $0x1C05  }
0x9c: {  	[timem:s3], [sflag:s2] =	dma.local @!p0 [hbm:s0], s1  }
0x9d: {  	s0 =	simm.s32 @!p0 $0x5  }
0x9e: {  	_ =	swait.ge @!p0 [sflag:s0], s1  }
0x9f: {  	s1 =	ssub.s32 @!p0 $0x0, s1;
	[sflag:s0] =	ssyncset.done @!p0 $0x0  }
0xa0: {  	[sflag:s0] =	ssyncadd.s32 @!p0 s1  }
0xa1: {  	[bflag:$0x3] =	sbarrier.arrive $0xFFFF  }
0xa2: {  	_ =	shalt  }

// kernel: kernel.8.cloned.1.call-start
scs
__scs_entry_jumppad:
0x0: {  	(pc) =	sbr.rel $0x88, $3  }
0x1: {  	(tag) =	ssettag $0x0;
	lr =	simm.s32 $0x1  }
0x2: {  	[smem:$0x3F9B] =	sst lr;
	_ =	strace $0xD0000000  }
0x3: {  	_ = 	snop  }
0x4: {  	_ = 	snop  }
0x5: {  	_ = 	snop  }
0x6: {  	_ = 	snop  }
0x7: {  	_ = 	snop  }
__scs_overlays_trampoline_lowered:
0x8: {  	[smem:$0x3FAA] =	sst s0  }
0x9: {  	[smem:$0x3FAB] =	sst s1  }
0xa: {  	[smem:$0x3FAC] =	sst s2  }
0xb: {  	[smem:$0x3FAD] =	sst s3  }
0xc: {  	[smem:$0x3FAE] =	sst s4  }
0xd: {  	[smem:$0x3FAF] =	sst s5  }
0xe: {  	[smem:$0x3FB0] =	sst s6  }
0xf: {  	[smem:$0x3FB1] =	sst s7  }
0x10: {  	[smem:$0x3FB2] =	sst s8  }
0x11: {  	[smem:$0x3FB3] =	sst s9;
	s0 =	simm.s32 @!p0 $0x0  }
0x12: {  	s1 =	sld [smem:$0x3F99];
	s0 =	simm.s32 @p0 $0x1  }
0x13: {  	[smem:$0x3FB4] =	sst s0;
	s0 =	simm.s32 @!p1 $0x0  }
0x14: {  	s2 =	sld [smem:$0x3F98];
	s0 =	simm.s32 @p1 $0x1  }
0x15: {  	[smem:$0x3FB5] =	sst s0;
	s0 =	simm.s32 @!p2 $0x0  }
0x16: {  	s3 =	sld [smem:$0x3FDB];
	s0 =	simm.s32 @p2 $0x1  }
0x17: {  	s4 =	simm.s32 $0x1BF5;
	[smem:$0x3FB7] =	sst s0  }
0x18: {  	s0 =	sld [smem:$0x3F9A];
	_ =	swait.ge [sflag:s4], $0x0  }
0x19: {  	s7 =	sld [smem:$0x3F9B]  }
0x1a: {  	s8 =	sadd.s32 $0xFFFFE003, lr  }
0x1b: {  	s9 =	sadd.s32 $0xFFFFFEF7, lr;
	s5 =	simm.s32 $0xFFFFFFFF;
	p2 =	slt.u32 s8, $0xFFFFF086  }
0x1c: {  	p1 =	slt.u32 s9, $0xF7A;
	s5 =	simm.s32 @!p2 $0x0  }
0x1d: {  	s5 =	simm.s32 @p1 $0x1;
	p0 =	seq.s32 s7, s2  }
0x1e: {  	s7 =	smul.u32 @!p0 $0xF7A, s2;
	p2 =	seq.s32 @!p0 s5, $0x0  }
0x1f: {  	s9 =	smul.u32 $0xF7A, s1;
	s8 =	simm.s32 @!p0 $0x1BF5;
	p2 =	por !p2, p0  }
0x20: {  	[sflag:s8] =	ssyncset.s32 @!p0 $0xFFFFF086;
	s6 =	sadd.s32 @!p0 s3, s7;
	s7 =	simm.s32 @!p0 $0x108  }
0x21: {  	s3 =	sadd.s32 s3, s9;
	s6 =	sadd.s32 @!p0 $0x88, s6;
	s7 =	simm.s32 @p2 $0x1082  }
0x22: {  	[simem:s7], [sflag:s8] =	dma.local @!p0 [hbm:s6], $0xF7A  }
0x23: {  	s9 =	sor.u32 $0xD0000000, s2;
	s6 =	simm.s32 $0x108;
	_ =	swait.ge @!p0 [sflag:s8], $0x0  }
0x24: {  	s3 =	sadd.s32 $0x88, s3;
	s6 =	simm.s32 @!p1 $0x1082;
	[sflag:s4] =	ssyncset.s32 $0xFFFFF086  }
0x25: {  	[simem:s6], [sflag:s4] =	dma.local [hbm:s3], $0xF7A  }
0x26: {  	[smem:$0x3F9B] =	sst s1;
	(tag) =	ssettag s2;
	_ =	strace s9  }
0x27: {  	s1 =	sld [smem:$0x3FAB]  }
0x28: {  	s2 =	sld [smem:$0x3FAC]  }
0x29: {  	s4 =	sld [smem:$0x3FAE]  }
0x2a: {  	p0 =	seq.s32 s5, $0x0;
	s5 =	sld [smem:$0x3FAF]  }
0x2b: {  	s6 =	sld [smem:$0x3FB0]  }
0x2c: {  	s7 =	sld [smem:$0x3FB1]  }
0x2d: {  	s3 =	simm.s32 $0x108;
	s8 =	sld [smem:$0x3FB2]  }
0x2e: {  	s3 =	simm.s32 @!p0 $0x1082;
	s9 =	sld [smem:$0x3FB3]  }
0x2f: {  	lr =	sadd.s32 s0, s3;
	s0 =	sld [smem:$0x3FAA]  }
0x30: {  	s3 =	sld [smem:$0x3FAD]  }
0x31: {  	[smem:$0x3FB6] =	sst s10  }
0x32: {  	s10 =	sld [smem:$0x3FB4];
	_ =	sdelay $0x3  }
0x33: {  	p0 =	seq.s32 s10, $0x1;
	s10 =	sld [smem:$0x3FB6];
	_ =	sdelay $0x3  }
0x34: {  	[smem:$0x3FB6] =	sst s10  }
0x35: {  	s10 =	sld [smem:$0x3FB5];
	_ =	sdelay $0x3  }
0x36: {  	p1 =	seq.s32 s10, $0x1;
	s10 =	sld [smem:$0x3FB6];
	_ =	sdelay $0x3  }
0x37: {  	[smem:$0x3FB6] =	sst s10  }
0x38: {  	s10 =	sld [smem:$0x3FB7]  }
0x39: {  	_ = 	snop;
	(pc) =	sbr.ind lr, $3  }
0x3a: {  	_ = 	snop  }
0x3b: {  	_ = 	snop  }
0x3c: {  	p2 =	seq.s32 s10, $0x1;
	s10 =	sld [smem:$0x3FB6]  }
0x3d: {  	_ =	shalt  }
0x3e: {  	_ =	shalt  }
0x3f: {  	_ =	shalt  }
0x40: {  	_ =	shalt  }
0x41: {  	_ =	shalt  }
0x42: {  	_ =	shalt  }
0x43: {  	_ =	shalt  }
0x44: {  	_ =	shalt  }
0x45: {  	_ =	shalt  }
0x46: {  	_ =	shalt  }
0x47: {  	_ =	shalt  }
0x48: {  	_ =	shalt  }
0x49: {  	_ =	shalt  }
0x4a: {  	_ =	shalt  }
0x4b: {  	_ =	shalt  }
0x4c: {  	_ =	shalt  }
0x4d: {  	_ =	shalt  }
0x4e: {  	_ =	shalt  }
0x4f: {  	_ =	shalt  }
0x50: {  	_ =	shalt  }
0x51: {  	_ =	shalt  }
0x52: {  	_ =	shalt  }
0x53: {  	_ =	shalt  }
0x54: {  	_ =	shalt  }
0x55: {  	_ =	shalt  }
0x56: {  	_ =	shalt  }
0x57: {  	_ =	shalt  }
0x58: {  	_ =	shalt  }
0x59: {  	_ =	shalt  }
0x5a: {  	_ =	shalt  }
0x5b: {  	_ =	shalt  }
0x5c: {  	_ =	shalt  }
0x5d: {  	_ =	shalt  }
0x5e: {  	_ =	shalt  }
0x5f: {  	_ =	shalt  }
0x60: {  	_ =	shalt  }
0x61: {  	_ =	shalt  }
0x62: {  	_ =	shalt  }
0x63: {  	_ =	shalt  }
0x64: {  	_ =	shalt  }
0x65: {  	_ =	shalt  }
0x66: {  	_ =	shalt  }
0x67: {  	_ =	shalt  }
0x68: {  	_ =	shalt  }
0x69: {  	_ =	shalt  }
0x6a: {  	_ =	shalt  }
0x6b: {  	_ =	shalt  }
0x6c: {  	_ =	shalt  }
0x6d: {  	_ =	shalt  }
0x6e: {  	_ =	shalt  }
0x6f: {  	_ =	shalt  }
0x70: {  	_ =	shalt  }
0x71: {  	_ =	shalt  }
0x72: {  	_ =	shalt  }
0x73: {  	_ =	shalt  }
0x74: {  	_ =	shalt  }
0x75: {  	_ =	shalt  }
0x76: {  	_ =	shalt  }
0x77: {  	_ =	shalt  }
0x78: {  	_ =	shalt  }
0x79: {  	_ =	shalt  }
0x7a: {  	_ =	shalt  }
0x7b: {  	_ =	shalt  }
0x7c: {  	_ =	shalt  }
0x7d: {  	_ =	shalt  }
0x7e: {  	_ =	shalt  }
0x7f: {  	_ =	shalt  }
0x80: {  	_ =	shalt  }
0x81: {  	_ =	shalt  }
0x82: {  	_ =	shalt  }
0x83: {  	_ =	shalt  }
0x84: {  	_ =	shalt  }
0x85: {  	_ =	shalt  }
0x86: {  	_ =	shalt  }
0x87: {  	_ =	shalt  }
.Lfunc_end0:
.L_simem_size_0:
called_computation_lowered:
.L_overlay_start_0:
0x88: {  	s2 =	sld [smem:$0x3FD9]  }
0x89: {  	s3 =	sld [smem:$0x3FFE];
	_ =	sdelay $0x1  }
0x8a: {  	s1 =	srdreg.scid  }
0x8b: {  	s0 =	sand.u32 $0x1, s1  }
0x8c: {  	s16 =	sshll.u32 s0, $0xA;
	s2 =	sadd.s32 s3, s2  }
0x8d: {  	s2 =	sadd.s32 s2, s16  }
0x8e: {  	[smem:$0x3FC2] =	sst s2  }
0x8f: {  	_ = 	snop  }
0x90: {  	(tm) =	ssettm $0x1  }
0x91: {  	s17 =	sld [smem:$0x3FFB];
	_ =	sdelay $0x3  }
0x92: {  	_ =	strace s17  }
0x93: {  	s2 =	sld [smem:$0x3FFC];
	_ =	sdelay $0x3  }
0x94: {  	_ =	strace s2  }
0x95: {  	s2 =	sld [smem:$0x3FFD];
	_ =	sdelay $0x3  }
0x96: {  	_ =	strace s2  }
0x97: {  	_ =	strace $0x8FFFFFFF  }
0x98: {  	s18 =	sld [smem:$0x3FDB];
	_ =	sdelay $0x1  }
0x99: {  	s19 =	simm.s32 $_scs_section_size  }
0x9a: {  	s4 =	simm.s32 $_size__tile_overlayer_lowered;
	s5 =	simm.s32 $_tile_overlayer_lowered  }
0x9b: {  	s22 =	simm.s32 $0x1BFF;
	s21 =	sshll.u32 s5, $0x1;
	s2 =	sadd.s32 s19, s18  }
0x9c: {  	s6 =	simm.s32 $0x0;
	s20 =	sshll.u32 s4, $0x1;
	s4 =	sadd.s32 s21, s2  }
0x9d: {  	[timem:s6], [sflag:s22] =	dma.local [hbm:s4], s20  }
0x9e: {  	_ =	swait.ge [sflag:s22], s20  }
0x9f: {  	s3 =	ssub.s32 $0x0, s20;
	[sflag:s22] =	ssyncset.done $0x0  }
0xa0: {  	[sflag:s22] =	ssyncadd.s32 s3;
	_ =	sdelay $0x1  }
0xa1: {  	s23 =	simm.s32 $0x1B8B  }
0xa2: {  	_ =	swait.ge [sflag:s23], $0x1  }
0xa3: {  	[sflag:s23] =	ssyncset.done $0x0  }
0xa4: {  	s25 =	simm.s32 $0x1B8E;
	s24 =	sld [smem:$0x3FFE];
	[sflag:s23] =	ssyncadd.s32 $0xFFFFFFFF  }
0xa5: {  	s26 =	simm.s32 $execute0_lowered;
	[smem:$0x3FD2] =	sst s25  }
0xa6: {  	s4 =	sshll.u32 s26, $0x1;
	_ =	strace $0x80000046;
	[dreg:$0x1] =	wrdreg $0xFFFFFFFF  }
0xa7: {  	s28 =	simm.s32 $_size_execute0_lowered;
	s2 =	sadd.s32 s2, s4;
	[dreg:$0x0] =	wrdreg $0x0  }
0xa8: {  	s4 =	sshll.u32 s28, $0x1;
	[dreg:$0x2] =	wrdreg s2  }
0xa9: {  	[dreg:$0x3] =	wrdreg s4  }
0xaa: {  	[dreg:$0x4] =	wrdreg $0xC0  }
0xab: {  	_ =	task [dreg:s6], $0x5FFFF  }
0xac: {  	[dreg:$0x1] =	wrdreg $0xFFFFFFFF  }
0xad: {  	[dreg:$0x0] =	wrdreg $0x60  }
0xae: {  	[dreg:$0x2] =	wrdreg s24  }
0xaf: {  	[dreg:$0x3] =	wrdreg $0x0  }
0xb0: {  	[dreg:$0x4] =	wrdreg $0x9  }
0xb1: {  	_ =	task.clear_ibuf [dreg:s6], $0x5FFFF;
	_ =	strace $0x90000046  }
0xb2: {  	s29 =	simm.s32 $0x9;
	_ =	strace $0x80000048  }
0xb3: {  	_ =	swait.ge [sflag:s29], $0x1  }
0xb4: {  	[sflag:s29] =	ssyncadd.s32 $0xFFFFFFFF  }
0xb5: {  	_ =	strace $0x90000048  }
0xb6: {  	_ =	sfence  }
0xb7: {  	s30 =	sld [smem:$0x0];
	_ =	sdelay $0x2  }
0xb8: {  	s31 =	sshll.u32 s1, $0xD;
	s1 =	sshrl.u32 s1, $0x2  }
0xb9: {  	s3 =	sand.u32 $0x4000, s31;
	s1 =	sadd.s32 s1, s30  }
0xba: {  	s0 =	sor.u32 s3, s0;
	s1 =	sshll.u32 s1, $0x11  }
0xbb: {  	s0 =	sor.u32 s1, s0  }
0xbc: {  	s0 =	sadd.s32 $0x8F2B, s0  }
0xbd: {  	[sflag:s0] =	ssyncadd.remote.s32 $0x1  }
0xbe: {  	_ =	sfence.sel $0xFFFF  }
0xbf: {  	[dreg:$0x0] =	wrdreg $0xFFFFFFFF;
	(pc) =	sbr.abs _section_cstart, $3  }
0xc0: {  	[dreg:$0x1] =	wrdreg $0xFFFFFFFF  }
0xc1: {  	_ =	task.clear_ibuf [dreg:s6], $0x2FFFF;
	_ =	strace $0x9FFFFFFF  }
0xc2: {  	(tm) =	ssettm $0x7FFFFFFF  }
0xc3: {  	_ =	shalt  }
tec
execute0_lowered:
.L_overlay_start_1:
0x0: {  	(tag) =	ssettag $0x1  }
0x1: {  	s5 =	rddreg [dreg:$0x0]  }
0x2: {  	s2 =	rddreg [dreg:$0x1]  }
0x3: {  	s0 =	rddreg [dreg:$0x2];
	s3 =	simm.s32 $0x0;
	s1 =	stileid.u32  }
0x4: {  	s4 =	srdreg.scid;
	[smem:$0x7FF] =	sst s3  }
0x5: {  	s6 =	smul.u32 $0x1400, s1;
	s7 =	sadd.s32 $0xDA00, s5;
	s8 =	sadd.s32 $0x3C00, s5  }
0x6: {  	s10 =	sand.u32 $0x1, s4;
	s4 =	sadd.s32 $0x1A000, s5;
	s13 =	sadd.s32 $0x1A200, s5  }
0x7: {  	s14 =	sadd.s32 $0x1CA00, s5;
	s30 =	smul.u32 $0x9C4, s1;
	s31 =	sshll.u32 s1, $0x6  }
0x8: {  	_ =	strace $0x80000047;
	s12 =	ssub.s32 $0x2, s10;
	p0 =	seq.s32 s10, $0x0  }
0x9: {  	s10 =	simm.s32 $0x1;
	s9 =	sshrl.u32 s6, $0x3;
	s29 =	sshrl.u32 s12, $0x1  }
0xa: {  	s15 =	sadd.s32 s6, s2;
	s8 =	smov.u32 @p0 s7;
	s14 =	smov.u32 @p0 s13  }
0xb: {  	s11 =	sadd.s32 s9, s5;
	s12 =	ssub.s32 s12, s29;
	s7 =	sadd.s32 s8, s30  }
0xc: {  	s8 =	sadd.s32 s14, s9;
	s9 =	simm.s32 $0x1400;
	s13 =	sshrl.u32 s15, $0x3  }
0xd: {  	s14 =	simm.s32 $0x50;
	s15 =	simm.s32 $0x0;
	s5 =	sadd.s32 $0x17800, s11  }
0xe: {  	s6 =	smax.u32 s12, $0x1;
	s11 =	simm.s32 $0x6220;
	s12 =	sor.u32 $0x1C01, s31  }
.LBB2_1:
0xf: {  	[tilespmem:s9], [sflag:$0x1] =	stream.linear.gather [hbm4b:s7+s3], $0x4E20, $0x38;
	[tilespmem:$0x64A0] =	vst v63  }
0x10: {  	_ =	swait.ge [sflag:s10], $0x4E20  }
0x11: {  	[sflag:s10] =	ssyncset.done $0x0  }
0x12: {  	[sflag:s10] =	ssyncadd.s32 $0xFFFFB1E0  }
0x13: {  	[tilespmem:s11], [sflag:$0x1] =	stream.linear.gather [hbm4b:s4+s3], $0x280, $0x38;
	[tilespmem:$0x64A0] =	vst v63  }
0x14: {  	_ =	swait.ge [sflag:s10], $0x280  }
0x15: {  	[sflag:s10] =	ssyncset.done $0x0  }
0x16: {  	[sflag:s10] =	ssyncadd.s32 $0xFFFFFD80  }
0x17: {  	[spmem:s13], [sflag:s12] =	dma.local [hbm:s5], $0x280  }
0x18: {  	_ =	swait.ge [sflag:s10], $0x280  }
0x19: {  	[sflag:s10] =	ssyncset.done $0x0  }
0x1a: {  	[sflag:s10] =	ssyncadd.s32 $0xFFFFFD80  }
0x1b: {  	s16 =	simm.s32 $0x1400;
	[bflag:$0x0] =	sbarrier.arrive $0xFFFF  }
0x1c: {  	[spmem:s2] =	stream.indirect.scatter.add.f32 [tilespmem:s11], [sflag:$0x1], $0x8, s16, s14, $0xb8;
	[tilespmem:$0x64A0] =	vst v63  }
0x1d: {  	s16 =	simm.s32 $0x140;
	_ =	swait.ge [sflag:s10], $0x280  }
.LBB2_2:
0x1e: {  	s17 =	sshra.s32 s16, $0x2;
	[sflag:s10] =	ssyncset.done $0x0;
	p0 =	sne.s32 s16, $0x13740  }
.Ltmp0:
0x1f: {  	s17 =	sadd.s32 $0x1400, s17;
	[sflag:s10] =	ssyncadd.s32 $0xFFFFFD80;
	(pc) =	sbr.rel @p0 .LBB2_2-.Ltmp0, $3  }
0x20: {  	[spmem:s2] =	stream.indirect.scatter.add.f32 [tilespmem:s11], [sflag:$0x1], $0x8, s17, s14, $0xb8;
	[tilespmem:$0x64A0] =	vst v63  }
0x21: {  	s16 =	sadd.s32 $0x140, s16;
	_ =	sdelay $0x1  }
0x22: {  	_ =	swait.ge [sflag:s10], $0x280  }
0x23: {  	[sflag:s10] =	ssyncset.done $0x0;
	s15 =	sadd.s32 $0x1, s15  }
0x24: {  	[sflag:s10] =	ssyncadd.s32 $0xFFFFFD80;
	p0 =	sne.s32 s15, s6  }
.Ltmp1:
0x25: {  	[bflag:$0x0] =	sbarrier.arrive $0xFFFF;
	(pc) =	sbr.rel @p0 .LBB2_1-.Ltmp1, $4  }
0x26: {  	[hbm:s8], [sflag:s12] =	dma.local [spmem:s13], $0x280  }
0x27: {  	_ =	swait.ge [sflag:s10], $0x280  }
0x28: {  	[sflag:s10] =	ssyncset.done $0x0  }
0x29: {  	[sflag:s10] =	ssyncadd.s32 $0xFFFFFD80  }
0x2a: {  	_ =	sfence.sel $0x180000  }
0x2b: {  	[bflag:$0x0] =	sbarrier.arrive $0xFFFF  }
0x2c: {  	p0 =	sne.s32 s1, $0x0;
	_ =	strace $0x90000047  }
0x2d: {  	s0 =	sadd.s32 @!p0 $0x100000, s0;
	[bflag:$0x2] =	sbarrier.arrive $0xFFFF  }
0x2e: {  	[sflag:s0] =	ssyncadd.tile.s32 @!p0 $0x1;
	_ =	shalt  }
.Lfunc_end2:
_tile_overlayer_lowered:
.L_overlay_start_2:
0x2f: {  	(tag) =	ssettag $0x2  }
0x30: {  	s0 =	rddreg [dreg:$0x0];
	s2 =	stileid.u32  }
0x31: {  	s1 =	rddreg [dreg:$0x1];
	p0 =	sne.s32 s2, $0x0  }
0x32: {  	s3 =	rddreg [dreg:$0x2];
	[bflag:$0x3] =	sbarrier.arrive $0xFFFF;
	s2 =	simm.s32 @!p0 $0x1C01  }
0x33: {  	[timem:s3], [sflag:s2] =	dma.local @!p0 [hbm:s0], s1  }
0x34: {  	s0 =	simm.s32 @!p0 $0x1  }
0x35: {  	_ =	swait.ge @!p0 [sflag:s0], s1  }
0x36: {  	s1 =	ssub.s32 @!p0 $0x0, s1;
	[sflag:s0] =	ssyncset.done @!p0 $0x0  }
0x37: {  	[sflag:s0] =	ssyncadd.s32 @!p0 s1  }
0x38: {  	[bflag:$0x3] =	sbarrier.arrive $0xFFFF  }
0x39: {  	_ =	shalt  }

</sc_bundles>
